<compile_context>
chip_gen: v7x
topology: tpu7x:2x2x1
jax: 0.10.2.dev20260603
libtpu: 0.0.44.dev20260713+nightly
codegen_flags: <defaults>
</compile_context>

<pallas_src>
import functools

import jax
import jax.numpy as jnp
from jax import lax
from jax.experimental import pallas as pl
from jax.experimental.pallas import tpu as pltpu
from jax.experimental.pallas import tpu_sc as plsc

BINS = 1024
D_Q = 64
DIR_LEN = 21
B, L = 4096, 200
N_TOT = B * L
NW = 32
N_PER = N_TOT // NW
CHUNK = 400
GROUPS = CHUNK // 16
N_CHUNKS = N_PER // CHUNK
TBL = BINS * DIR_LEN
TBL3 = 3 * TBL


def _sc_body(table_hbm, rot_hbm, ix_hbm, iy_hbm, iz_hbm, out_hbm,
             table_v, rot_v, ix0, iy0, iz0, ix1, iy1, iz1, out0, out1,
             sem_in, sem_out):
    wid = lax.axis_index("s") * 2 + lax.axis_index("c")
    base = wid * N_PER
    pltpu.sync_copy(table_hbm, table_v)
    pltpu.sync_copy(rot_hbm, rot_v)
    iota = lax.iota(jnp.int32, 16)
    dst0 = iota * D_Q
    zeros = jnp.zeros((16,), jnp.float32)
    srcs = (ix_hbm, iy_hbm, iz_hbm)
    idx_bufs = ((ix0, iy0, iz0), (ix1, iy1, iz1))
    out_bufs = (out0, out1)

    def start_idx(c, b):
        cbase = base + c * CHUNK
        for j in range(3):
            pltpu.async_copy(srcs[j].at[pl.ds(cbase, CHUNK)], idx_bufs[b][j],
                             sem_in.at[b])

    def wait_idx(b):
        for j in range(3):
            pltpu.make_async_copy(srcs[j].at[pl.ds(0, CHUNK)], idx_bufs[b][j],
                                  sem_in.at[b]).wait()

    def start_out(c, b):
        cbase = base + c * CHUNK
        pltpu.async_copy(out_bufs[b],
                         out_hbm.at[pl.ds(cbase * D_Q, CHUNK * D_Q)],
                         sem_out.at[b])

    def wait_out(b):
        pltpu.make_async_copy(out_bufs[b],
                              out_hbm.at[pl.ds(0, CHUNK * D_Q)],
                              sem_out.at[b]).wait()

    def compute(b):
        ixv, iyv, izv = idx_bufs[b]
        ob = out_bufs[b]

        def group_body(g, gcarry):
            rot = [rot_v[pl.ds(16 * d, 16)] for d in range(DIR_LEN)]

            goff = g * 16
            ix = ixv[pl.ds(goff, 16)]
            iy = iyv[pl.ds(goff, 16)]
            iz = izv[pl.ds(goff, 16)]
            bases = (ix * DIR_LEN, iy * DIR_LEN + TBL, iz * DIR_LEN + 2 * TBL)
            dst = dst0 + g * (16 * D_Q)
            dsts = (dst, dst + DIR_LEN, dst + 2 * DIR_LEN)
            for d0 in range(0, DIR_LEN, 7):
                pairs = [(t, d) for d in range(d0, d0 + 7) for t in range(3)]
                vals = [plsc.load_gather(table_v, [bases[t] + rot[d]])
                        for (t, d) in pairs]
                for v, (t, d) in zip(vals, pairs):
                    plsc.store_scatter(ob, [dsts[t] + rot[d]], v)
            plsc.store_scatter(ob, [dst + (D_Q - 1)], zeros)
            return gcarry

        lax.fori_loop(0, GROUPS, group_body, 0)

    start_idx(0, 0)
    start_idx(1, 1)

    def chunk_pair(i, carry):
        c0 = i * 2
        for b in range(2):
            c = c0 + b
            wait_idx(b)

            @pl.when(c >= 2)
            def _():
                wait_out(b)

            compute(b)
            start_out(c, b)

            @pl.when(c + 2 < N_CHUNKS)
            def _():
                start_idx(c + 2, b)
        return carry

    lax.fori_loop(0, N_CHUNKS // 2, chunk_pair, 0)
    wait_out(0)
    wait_out(1)


_sc_call = functools.partial(
    pl.kernel,
    mesh=plsc.VectorSubcoreMesh(core_axis_name="c", subcore_axis_name="s"),
    out_type=jax.ShapeDtypeStruct((N_TOT * D_Q,), jnp.float32),
    compiler_params=pltpu.CompilerParams(needs_layout_passes=False),
    scratch_types=[
        pltpu.VMEM((TBL3,), jnp.float32),
        pltpu.VMEM((16 * DIR_LEN,), jnp.int32),
        pltpu.VMEM((CHUNK,), jnp.int32),
        pltpu.VMEM((CHUNK,), jnp.int32),
        pltpu.VMEM((CHUNK,), jnp.int32),
        pltpu.VMEM((CHUNK,), jnp.int32),
        pltpu.VMEM((CHUNK,), jnp.int32),
        pltpu.VMEM((CHUNK,), jnp.int32),
        pltpu.VMEM((CHUNK * D_Q,), jnp.float32),
        pltpu.VMEM((CHUNK * D_Q,), jnp.float32),
        pltpu.SemaphoreType.DMA((2,)),
        pltpu.SemaphoreType.DMA((2,)),
    ],
)(_sc_body)


def kernel(discrete, emb_x, emb_y, emb_z):
    ix = discrete[:, :, 0].reshape(-1).astype(jnp.int32)
    iy = discrete[:, :, 1].reshape(-1).astype(jnp.int32)
    iz = discrete[:, :, 2].reshape(-1).astype(jnp.int32)
    table = jnp.concatenate(
        [emb_x.reshape(-1), emb_y.reshape(-1), emb_z.reshape(-1)])
    rot = jnp.array([(d + i) % DIR_LEN for d in range(DIR_LEN)
                     for i in range(16)], dtype=jnp.int32)
    out = _sc_call(table, rot, ix, iy, iz)
    return out.reshape(B, L, D_Q)

# --- scband reference (transcript-rebuilt; emitter-appended) ---
"""Pipeline reference for scband-absolute-positional-embedding-77824807404159 (READ-ONLY COPY).

The authoritative reference and input builder live on the scoring server;
editing this copy changes nothing except your own understanding.
"""

import jax, jax.numpy as jnp
import numpy as np

BINS = 1024
D_Q = 64
DIR_LEN = D_Q // 3  # 21
PAD_LEN = D_Q - DIR_LEN * 3  # 1
B, L = 4096, 200

def _xavier(key, shape):
    fan_in, fan_out = shape[0], shape[1]
    limit = np.sqrt(6.0 / (fan_in + fan_out))
    return jax.random.uniform(key, shape, dtype=jnp.float32, minval=-limit, maxval=limit)

def setup_inputs(seed: int = 0) -> dict:
    key = jax.random.key(seed)
    k1, k2, k3, k4 = jax.random.split(key, 4)
    discrete = jax.random.randint(k1, (B, L, 3), 0, BINS, dtype=jnp.int64)
    emb_x = _xavier(k2, (BINS, DIR_LEN))
    emb_y = _xavier(k3, (BINS, DIR_LEN))
    emb_z = _xavier(k4, (BINS, DIR_LEN))
    return {"discrete": discrete, "emb_x": emb_x, "emb_y": emb_y, "emb_z": emb_z}

def reference(discrete, emb_x, emb_y, emb_z):
    x_idx = discrete[:, :, 0].astype(jnp.int32)
    y_idx = discrete[:, :, 1].astype(jnp.int32)
    z_idx = discrete[:, :, 2].astype(jnp.int32)
    x_pe = jnp.take(emb_x, x_idx, axis=0)
    y_pe = jnp.take(emb_y, y_idx, axis=0)
    z_pe = jnp.take(emb_z, z_idx, axis=0)
    zero_pad = jnp.zeros((discrete.shape[0], discrete.shape[1], PAD_LEN), dtype=jnp.float32)
    lpe = jnp.concatenate([x_pe, y_pe, z_pe, zero_pad], axis=-1)
    return lpe

if __name__ == "__main__":
    import jax
    _d = setup_inputs()
    print(jax.jit(kernel)(*tuple(_d.values())))

</pallas_src>

<mosaic_0001>
#map = affine_map<(d0, d1) -> (0)>
module attributes {stable_mosaic.version = 14 : i64} {
  func.func @_sc_body(%arg0: i32, %arg1: i32, %arg2: memref<64512xf32, #tpu.memory_space<hbm>>, %arg3: memref<336xi32, #tpu.memory_space<hbm>>, %arg4: memref<819200xi32, #tpu.memory_space<hbm>>, %arg5: memref<819200xi32, #tpu.memory_space<hbm>>, %arg6: memref<819200xi32, #tpu.memory_space<hbm>>, %arg7: memref<52428800xf32, #tpu.memory_space<hbm>>, %arg8: memref<64512xf32, #tpu.memory_space<vmem>>, %arg9: memref<336xi32, #tpu.memory_space<vmem>>, %arg10: memref<400xi32, #tpu.memory_space<vmem>>, %arg11: memref<400xi32, #tpu.memory_space<vmem>>, %arg12: memref<400xi32, #tpu.memory_space<vmem>>, %arg13: memref<400xi32, #tpu.memory_space<vmem>>, %arg14: memref<400xi32, #tpu.memory_space<vmem>>, %arg15: memref<400xi32, #tpu.memory_space<vmem>>, %arg16: memref<25600xf32, #tpu.memory_space<vmem>>, %arg17: memref<25600xf32, #tpu.memory_space<vmem>>, %arg18: memref<2x!tpu.dma_semaphore, #tpu.memory_space<semaphore_mem>>, %arg19: memref<2x!tpu.dma_semaphore, #tpu.memory_space<semaphore_mem>>) attributes {dimension_semantics = [#tpu.dimension_semantics<core_parallel>, #tpu.dimension_semantics<subcore_parallel>], iteration_bounds = array<i64: 2, 16>, scalar_prefetch = 0 : i64, scratch_operands = 12 : i64, tpu.core_type = #tpu.core_type<sc_vector_subcore>, window_params = [{transform_indices = #map}, {transform_indices = #map}, {transform_indices = #map}, {transform_indices = #map}, {transform_indices = #map}, {transform_indices = #map}]} {
    %mul3A = arith.constant 2 : i32
    %mul3A_0 = arith.muli %arg1, %mul3A : i32
    %add3A = arith.addi %mul3A_0, %arg0 : i32
    %mul3A_1 = arith.constant 25600 : i32
    %mul3A_2 = arith.muli %add3A, %mul3A_1 : i32
    "tpu.region"() ({
      %run_scoped3A = tpu.sem_alloc : memref<!tpu.dma_semaphore, #tpu.memory_space<semaphore_mem>>
      tpu.enqueue_dma source(%arg2 : memref<64512xf32, #tpu.memory_space<hbm>>) target(%arg8 : memref<64512xf32, #tpu.memory_space<vmem>>) target_semaphore(%run_scoped3A : memref<!tpu.dma_semaphore, #tpu.memory_space<semaphore_mem>>)
      tpu.wait_dma2 semaphore(%run_scoped3A : memref<!tpu.dma_semaphore, #tpu.memory_space<semaphore_mem>>) src(%arg2 : memref<64512xf32, #tpu.memory_space<hbm>>) dst(%arg8 : memref<64512xf32, #tpu.memory_space<vmem>>)
      tpu.yield
    }) : () -> ()
    "tpu.region"() ({
      %run_scoped3A = tpu.sem_alloc : memref<!tpu.dma_semaphore, #tpu.memory_space<semaphore_mem>>
      tpu.enqueue_dma source(%arg3 : memref<336xi32, #tpu.memory_space<hbm>>) target(%arg9 : memref<336xi32, #tpu.memory_space<vmem>>) target_semaphore(%run_scoped3A : memref<!tpu.dma_semaphore, #tpu.memory_space<semaphore_mem>>)
      tpu.wait_dma2 semaphore(%run_scoped3A : memref<!tpu.dma_semaphore, #tpu.memory_space<semaphore_mem>>) src(%arg3 : memref<336xi32, #tpu.memory_space<hbm>>) dst(%arg9 : memref<336xi32, #tpu.memory_space<vmem>>)
      tpu.yield
    }) : () -> ()
    %iota3A = tpu.iota {dimensions = array<i32: 0>} : vector<16xi32>
    %mul3A_3 = arith.constant 64 : i32
    %mul3A_4 = vector.broadcast %mul3A_3 : i32 to vector<16xi32>
    %mul3A_5 = arith.muli %iota3A, %mul3A_4 : vector<16xi32>
    %broadcast_in_dim3A = arith.constant 0.000000e+00 : f32
    %broadcast_in_dim3A_6 = vector.broadcast %broadcast_in_dim3A : f32 to vector<16xf32>
    %add3A_7 = arith.constant 0 : i32
    %add3A_8 = arith.addi %mul3A_2, %add3A_7 : i32
    %dma_start3A = arith.constant 0 : i32
    %dma_start3A_9 = tpu.memref_slice %arg4[%add3A_8] : memref<819200xi32, #tpu.memory_space<hbm>> -> memref<400xi32, #tpu.memory_space<hbm>>
    %dma_start3A_10 = tpu.memref_slice %arg18[%dma_start3A] : memref<2x!tpu.dma_semaphore, #tpu.memory_space<semaphore_mem>> -> memref<1x!tpu.dma_semaphore, #tpu.memory_space<semaphore_mem>>
    %dma_start3A_11 = tpu.memref_squeeze %dma_start3A_10 : memref<1x!tpu.dma_semaphore, #tpu.memory_space<semaphore_mem>> -> memref<!tpu.dma_semaphore, #tpu.memory_space<semaphore_mem>>
    %dma_start3A_12 = tpu.memref_slice %arg4[%add3A_8] : memref<819200xi32, #tpu.memory_space<hbm>> -> memref<400xi32, #tpu.memory_space<hbm>>
    tpu.enqueue_dma source(%dma_start3A_12 : memref<400xi32, #tpu.memory_space<hbm>>) target(%arg10 : memref<400xi32, #tpu.memory_space<vmem>>) target_semaphore(%dma_start3A_11 : memref<!tpu.dma_semaphore, #tpu.memory_space<semaphore_mem>>)
    %dma_start3A_13 = arith.constant 0 : i32
    %dma_start3A_14 = tpu.memref_slice %arg5[%add3A_8] : memref<819200xi32, #tpu.memory_space<hbm>> -> memref<400xi32, #tpu.memory_space<hbm>>
    %dma_start3A_15 = tpu.memref_slice %arg18[%dma_start3A_13] : memref<2x!tpu.dma_semaphore, #tpu.memory_space<semaphore_mem>> -> memref<1x!tpu.dma_semaphore, #tpu.memory_space<semaphore_mem>>
    %dma_start3A_16 = tpu.memref_squeeze %dma_start3A_15 : memref<1x!tpu.dma_semaphore, #tpu.memory_space<semaphore_mem>> -> memref<!tpu.dma_semaphore, #tpu.memory_space<semaphore_mem>>
    %dma_start3A_17 = tpu.memref_slice %arg5[%add3A_8] : memref<819200xi32, #tpu.memory_space<hbm>> -> memref<400xi32, #tpu.memory_space<hbm>>
    tpu.enqueue_dma source(%dma_start3A_17 : memref<400xi32, #tpu.memory_space<hbm>>) target(%arg11 : memref<400xi32, #tpu.memory_space<vmem>>) target_semaphore(%dma_start3A_16 : memref<!tpu.dma_semaphore, #tpu.memory_space<semaphore_mem>>)
    %dma_start3A_18 = arith.constant 0 : i32
    %dma_start3A_19 = tpu.memref_slice %arg6[%add3A_8] : memref<819200xi32, #tpu.memory_space<hbm>> -> memref<400xi32, #tpu.memory_space<hbm>>
    %dma_start3A_20 = tpu.memref_slice %arg18[%dma_start3A_18] : memref<2x!tpu.dma_semaphore, #tpu.memory_space<semaphore_mem>> -> memref<1x!tpu.dma_semaphore, #tpu.memory_space<semaphore_mem>>
    %dma_start3A_21 = tpu.memref_squeeze %dma_start3A_20 : memref<1x!tpu.dma_semaphore, #tpu.memory_space<semaphore_mem>> -> memref<!tpu.dma_semaphore, #tpu.memory_space<semaphore_mem>>
    %dma_start3A_22 = tpu.memref_slice %arg6[%add3A_8] : memref<819200xi32, #tpu.memory_space<hbm>> -> memref<400xi32, #tpu.memory_space<hbm>>
    tpu.enqueue_dma source(%dma_start3A_22 : memref<400xi32, #tpu.memory_space<hbm>>) target(%arg12 : memref<400xi32, #tpu.memory_space<vmem>>) target_semaphore(%dma_start3A_21 : memref<!tpu.dma_semaphore, #tpu.memory_space<semaphore_mem>>)
    %add3A_23 = arith.constant 400 : i32
    %add3A_24 = arith.addi %mul3A_2, %add3A_23 : i32
    %dma_start3A_25 = arith.constant 1 : i32
    %dma_start3A_26 = tpu.memref_slice %arg4[%add3A_24] : memref<819200xi32, #tpu.memory_space<hbm>> -> memref<400xi32, #tpu.memory_space<hbm>>
    %dma_start3A_27 = tpu.memref_slice %arg18[%dma_start3A_25] : memref<2x!tpu.dma_semaphore, #tpu.memory_space<semaphore_mem>> -> memref<1x!tpu.dma_semaphore, #tpu.memory_space<semaphore_mem>>
    %dma_start3A_28 = tpu.memref_squeeze %dma_start3A_27 : memref<1x!tpu.dma_semaphore, #tpu.memory_space<semaphore_mem>> -> memref<!tpu.dma_semaphore, #tpu.memory_space<semaphore_mem>>
    %dma_start3A_29 = tpu.memref_slice %arg4[%add3A_24] : memref<819200xi32, #tpu.memory_space<hbm>> -> memref<400xi32, #tpu.memory_space<hbm>>
    tpu.enqueue_dma source(%dma_start3A_29 : memref<400xi32, #tpu.memory_space<hbm>>) target(%arg13 : memref<400xi32, #tpu.memory_space<vmem>>) target_semaphore(%dma_start3A_28 : memref<!tpu.dma_semaphore, #tpu.memory_space<semaphore_mem>>)
    %dma_start3A_30 = arith.constant 1 : i32
    %dma_start3A_31 = tpu.memref_slice %arg5[%add3A_24] : memref<819200xi32, #tpu.memory_space<hbm>> -> memref<400xi32, #tpu.memory_space<hbm>>
    %dma_start3A_32 = tpu.memref_slice %arg18[%dma_start3A_30] : memref<2x!tpu.dma_semaphore, #tpu.memory_space<semaphore_mem>> -> memref<1x!tpu.dma_semaphore, #tpu.memory_space<semaphore_mem>>
    %dma_start3A_33 = tpu.memref_squeeze %dma_start3A_32 : memref<1x!tpu.dma_semaphore, #tpu.memory_space<semaphore_mem>> -> memref<!tpu.dma_semaphore, #tpu.memory_space<semaphore_mem>>
    %dma_start3A_34 = tpu.memref_slice %arg5[%add3A_24] : memref<819200xi32, #tpu.memory_space<hbm>> -> memref<400xi32, #tpu.memory_space<hbm>>
    tpu.enqueue_dma source(%dma_start3A_34 : memref<400xi32, #tpu.memory_space<hbm>>) target(%arg14 : memref<400xi32, #tpu.memory_space<vmem>>) target_semaphore(%dma_start3A_33 : memref<!tpu.dma_semaphore, #tpu.memory_space<semaphore_mem>>)
    %dma_start3A_35 = arith.constant 1 : i32
    %dma_start3A_36 = tpu.memref_slice %arg6[%add3A_24] : memref<819200xi32, #tpu.memory_space<hbm>> -> memref<400xi32, #tpu.memory_space<hbm>>
    %dma_start3A_37 = tpu.memref_slice %arg18[%dma_start3A_35] : memref<2x!tpu.dma_semaphore, #tpu.memory_space<semaphore_mem>> -> memref<1x!tpu.dma_semaphore, #tpu.memory_space<semaphore_mem>>
    %dma_start3A_38 = tpu.memref_squeeze %dma_start3A_37 : memref<1x!tpu.dma_semaphore, #tpu.memory_space<semaphore_mem>> -> memref<!tpu.dma_semaphore, #tpu.memory_space<semaphore_mem>>
    %dma_start3A_39 = tpu.memref_slice %arg6[%add3A_24] : memref<819200xi32, #tpu.memory_space<hbm>> -> memref<400xi32, #tpu.memory_space<hbm>>
    tpu.enqueue_dma source(%dma_start3A_39 : memref<400xi32, #tpu.memory_space<hbm>>) target(%arg15 : memref<400xi32, #tpu.memory_space<vmem>>) target_semaphore(%dma_start3A_38 : memref<!tpu.dma_semaphore, #tpu.memory_space<semaphore_mem>>)
    %scan3A = arith.constant 0 : i32
    %scan3A_40 = arith.constant 0 : i32
    %scan3A_41 = arith.constant 32 : i32
    %scan3A_42 = arith.addi %scan3A_40, %scan3A_41 : i32
    %scan3A_43 = arith.constant 1 : i32
    scf.for %scan3A_58 = %scan3A_40 to %scan3A_42 step %scan3A_43  : i32 {
      %mul3A_59 = arith.constant 2 : i32
      %mul3A_60 = arith.muli %scan3A_58, %mul3A_59 : i32
      %add3A_61 = arith.constant 0 : i32
      %add3A_62 = arith.addi %mul3A_60, %add3A_61 : i32
      %dma_wait3A_63 = arith.constant 0 : i32
      %dma_wait3A_64 = arith.constant 0 : i32
      %dma_wait3A_65 = tpu.memref_slice %arg4[%dma_wait3A_64] : memref<819200xi32, #tpu.memory_space<hbm>> -> memref<400xi32, #tpu.memory_space<hbm>>
      %dma_wait3A_66 = tpu.memref_slice %arg18[%dma_wait3A_63] : memref<2x!tpu.dma_semaphore, #tpu.memory_space<semaphore_mem>> -> memref<1x!tpu.dma_semaphore, #tpu.memory_space<semaphore_mem>>
      %dma_wait3A_67 = tpu.memref_squeeze %dma_wait3A_66 : memref<1x!tpu.dma_semaphore, #tpu.memory_space<semaphore_mem>> -> memref<!tpu.dma_semaphore, #tpu.memory_space<semaphore_mem>>
      %dma_wait3A_68 = arith.constant 0 : i32
      %dma_wait3A_69 = tpu.memref_slice %arg4[%dma_wait3A_68] : memref<819200xi32, #tpu.memory_space<hbm>> -> memref<400xi32, #tpu.memory_space<hbm>>
      tpu.wait_dma2 semaphore(%dma_wait3A_67 : memref<!tpu.dma_semaphore, #tpu.memory_space<semaphore_mem>>) src(%dma_wait3A_69 : memref<400xi32, #tpu.memory_space<hbm>>) dst(%arg10 : memref<400xi32, #tpu.memory_space<vmem>>)
      %dma_wait3A_70 = arith.constant 0 : i32
      %dma_wait3A_71 = arith.constant 0 : i32
      %dma_wait3A_72 = tpu.memref_slice %arg5[%dma_wait3A_71] : memref<819200xi32, #tpu.memory_space<hbm>> -> memref<400xi32, #tpu.memory_space<hbm>>
      %dma_wait3A_73 = tpu.memref_slice %arg18[%dma_wait3A_70] : memref<2x!tpu.dma_semaphore, #tpu.memory_space<semaphore_mem>> -> memref<1x!tpu.dma_semaphore, #tpu.memory_space<semaphore_mem>>
      %dma_wait3A_74 = tpu.memref_squeeze %dma_wait3A_73 : memref<1x!tpu.dma_semaphore, #tpu.memory_space<semaphore_mem>> -> memref<!tpu.dma_semaphore, #tpu.memory_space<semaphore_mem>>
      %dma_wait3A_75 = arith.constant 0 : i32
      %dma_wait3A_76 = tpu.memref_slice %arg5[%dma_wait3A_75] : memref<819200xi32, #tpu.memory_space<hbm>> -> memref<400xi32, #tpu.memory_space<hbm>>
      tpu.wait_dma2 semaphore(%dma_wait3A_74 : memref<!tpu.dma_semaphore, #tpu.memory_space<semaphore_mem>>) src(%dma_wait3A_76 : memref<400xi32, #tpu.memory_space<hbm>>) dst(%arg11 : memref<400xi32, #tpu.memory_space<vmem>>)
      %dma_wait3A_77 = arith.constant 0 : i32
      %dma_wait3A_78 = arith.constant 0 : i32
      %dma_wait3A_79 = tpu.memref_slice %arg6[%dma_wait3A_78] : memref<819200xi32, #tpu.memory_space<hbm>> -> memref<400xi32, #tpu.memory_space<hbm>>
      %dma_wait3A_80 = tpu.memref_slice %arg18[%dma_wait3A_77] : memref<2x!tpu.dma_semaphore, #tpu.memory_space<semaphore_mem>> -> memref<1x!tpu.dma_semaphore, #tpu.memory_space<semaphore_mem>>
      %dma_wait3A_81 = tpu.memref_squeeze %dma_wait3A_80 : memref<1x!tpu.dma_semaphore, #tpu.memory_space<semaphore_mem>> -> memref<!tpu.dma_semaphore, #tpu.memory_space<semaphore_mem>>
      %dma_wait3A_82 = arith.constant 0 : i32
      %dma_wait3A_83 = tpu.memref_slice %arg6[%dma_wait3A_82] : memref<819200xi32, #tpu.memory_space<hbm>> -> memref<400xi32, #tpu.memory_space<hbm>>
      tpu.wait_dma2 semaphore(%dma_wait3A_81 : memref<!tpu.dma_semaphore, #tpu.memory_space<semaphore_mem>>) src(%dma_wait3A_83 : memref<400xi32, #tpu.memory_space<hbm>>) dst(%arg12 : memref<400xi32, #tpu.memory_space<vmem>>)
      %ge3A = arith.constant 2 : i32
      %ge3A_84 = arith.cmpi sge, %add3A_62, %ge3A : i32
      %convert_element_type3A = arith.extui %ge3A_84 : i1 to i32
      %cond3A = arith.constant 0 : i32
      %cond3A_85 = arith.cmpi ne, %convert_element_type3A, %cond3A : i32
      scf.if %cond3A_85 {
        %dma_wait3A_159 = arith.constant 0 : i32
        %dma_wait3A_160 = arith.constant 0 : i32
        %dma_wait3A_161 = tpu.memref_slice %arg7[%dma_wait3A_160] : memref<52428800xf32, #tpu.memory_space<hbm>> -> memref<25600xf32, #tpu.memory_space<hbm>>
        %dma_wait3A_162 = tpu.memref_slice %arg19[%dma_wait3A_159] : memref<2x!tpu.dma_semaphore, #tpu.memory_space<semaphore_mem>> -> memref<1x!tpu.dma_semaphore, #tpu.memory_space<semaphore_mem>>
        %dma_wait3A_163 = tpu.memref_squeeze %dma_wait3A_162 : memref<1x!tpu.dma_semaphore, #tpu.memory_space<semaphore_mem>> -> memref<!tpu.dma_semaphore, #tpu.memory_space<semaphore_mem>>
        %dma_wait3A_164 = arith.constant 0 : i32
        %dma_wait3A_165 = tpu.memref_slice %arg7[%dma_wait3A_164] : memref<52428800xf32, #tpu.memory_space<hbm>> -> memref<25600xf32, #tpu.memory_space<hbm>>
        tpu.wait_dma2 semaphore(%dma_wait3A_163 : memref<!tpu.dma_semaphore, #tpu.memory_space<semaphore_mem>>) src(%arg16 : memref<25600xf32, #tpu.memory_space<vmem>>) dst(%dma_wait3A_165 : memref<25600xf32, #tpu.memory_space<hbm>>)
      } else {
      }
      %scan3A_86 = arith.constant 0 : i32
      %scan3A_87 = arith.constant 0 : i32
      %scan3A_88 = arith.constant 25 : i32
      %scan3A_89 = arith.addi %scan3A_87, %scan3A_88 : i32
      %scan3A_90 = arith.constant 1 : i32
      scf.for %scan3A_159 = %scan3A_87 to %scan3A_89 step %scan3A_90  : i32 {
        %get3A = arith.constant 0 : index
        %get3A_160 = tpu.vector_load %arg9[%get3A] {strides = array<i32>} : memref<336xi32, #tpu.memory_space<vmem>>, vector<16xi32>,
        %get3A_161 = arith.constant 16 : index
        %get3A_162 = tpu.vector_load %arg9[%get3A_161] {strides = array<i32>} : memref<336xi32, #tpu.memory_space<vmem>>, vector<16xi32>,
        %get3A_163 = arith.constant 32 : index
        %get3A_164 = tpu.vector_load %arg9[%get3A_163] {strides = array<i32>} : memref<336xi32, #tpu.memory_space<vmem>>, vector<16xi32>,
        %get3A_165 = arith.constant 48 : index
        %get3A_166 = tpu.vector_load %arg9[%get3A_165] {strides = array<i32>} : memref<336xi32, #tpu.memory_space<vmem>>, vector<16xi32>,
        %get3A_167 = arith.constant 64 : index
        %get3A_168 = tpu.vector_load %arg9[%get3A_167] {strides = array<i32>} : memref<336xi32, #tpu.memory_space<vmem>>, vector<16xi32>,
        %get3A_169 = arith.constant 80 : index
        %get3A_170 = tpu.vector_load %arg9[%get3A_169] {strides = array<i32>} : memref<336xi32, #tpu.memory_space<vmem>>, vector<16xi32>,
        %get3A_171 = arith.constant 96 : index
        %get3A_172 = tpu.vector_load %arg9[%get3A_171] {strides = array<i32>} : memref<336xi32, #tpu.memory_space<vmem>>, vector<16xi32>,
        %get3A_173 = arith.constant 112 : index
        %get3A_174 = tpu.vector_load %arg9[%get3A_173] {strides = array<i32>} : memref<336xi32, #tpu.memory_space<vmem>>, vector<16xi32>,
        %get3A_175 = arith.constant 128 : index
        %get3A_176 = tpu.vector_load %arg9[%get3A_175] {strides = array<i32>} : memref<336xi32, #tpu.memory_space<vmem>>, vector<16xi32>,
        %get3A_177 = arith.constant 144 : index
        %get3A_178 = tpu.vector_load %arg9[%get3A_177] {strides = array<i32>} : memref<336xi32, #tpu.memory_space<vmem>>, vector<16xi32>,
        %get3A_179 = arith.constant 160 : index
        %get3A_180 = tpu.vector_load %arg9[%get3A_179] {strides = array<i32>} : memref<336xi32, #tpu.memory_space<vmem>>, vector<16xi32>,
        %get3A_181 = arith.constant 176 : index
        %get3A_182 = tpu.vector_load %arg9[%get3A_181] {strides = array<i32>} : memref<336xi32, #tpu.memory_space<vmem>>, vector<16xi32>,
        %get3A_183 = arith.constant 192 : index
        %get3A_184 = tpu.vector_load %arg9[%get3A_183] {strides = array<i32>} : memref<336xi32, #tpu.memory_space<vmem>>, vector<16xi32>,
        %get3A_185 = arith.constant 208 : index
        %get3A_186 = tpu.vector_load %arg9[%get3A_185] {strides = array<i32>} : memref<336xi32, #tpu.memory_space<vmem>>, vector<16xi32>,
        %get3A_187 = arith.constant 224 : index
        %get3A_188 = tpu.vector_load %arg9[%get3A_187] {strides = array<i32>} : memref<336xi32, #tpu.memory_space<vmem>>, vector<16xi32>,
        %get3A_189 = arith.constant 240 : index
        %get3A_190 = tpu.vector_load %arg9[%get3A_189] {strides = array<i32>} : memref<336xi32, #tpu.memory_space<vmem>>, vector<16xi32>,
        %get3A_191 = arith.constant 256 : index
        %get3A_192 = tpu.vector_load %arg9[%get3A_191] {strides = array<i32>} : memref<336xi32, #tpu.memory_space<vmem>>, vector<16xi32>,
        %get3A_193 = arith.constant 272 : index
        %get3A_194 = tpu.vector_load %arg9[%get3A_193] {strides = array<i32>} : memref<336xi32, #tpu.memory_space<vmem>>, vector<16xi32>,
        %get3A_195 = arith.constant 288 : index
        %get3A_196 = tpu.vector_load %arg9[%get3A_195] {strides = array<i32>} : memref<336xi32, #tpu.memory_space<vmem>>, vector<16xi32>,
        %get3A_197 = arith.constant 304 : index
        %get3A_198 = tpu.vector_load %arg9[%get3A_197] {strides = array<i32>} : memref<336xi32, #tpu.memory_space<vmem>>, vector<16xi32>,
        %get3A_199 = arith.constant 320 : index
        %get3A_200 = tpu.vector_load %arg9[%get3A_199] {strides = array<i32>} : memref<336xi32, #tpu.memory_space<vmem>>, vector<16xi32>,
        %mul3A_201 = arith.constant 16 : i32
        %mul3A_202 = arith.muli %scan3A_159, %mul3A_201 : i32
        %get3A_203 = arith.index_cast %mul3A_202 : i32 to index
        %get3A_204 = tpu.vector_load %arg10[%get3A_203] {strides = array<i32>} : memref<400xi32, #tpu.memory_space<vmem>>, vector<16xi32>,
        %get3A_205 = arith.index_cast %mul3A_202 : i32 to index
        %get3A_206 = tpu.vector_load %arg11[%get3A_205] {strides = array<i32>} : memref<400xi32, #tpu.memory_space<vmem>>, vector<16xi32>,
        %get3A_207 = arith.index_cast %mul3A_202 : i32 to index
        %get3A_208 = tpu.vector_load %arg12[%get3A_207] {strides = array<i32>} : memref<400xi32, #tpu.memory_space<vmem>>, vector<16xi32>,
        %mul3A_209 = arith.constant 21 : i32
        %mul3A_210 = vector.broadcast %mul3A_209 : i32 to vector<16xi32>
        %mul3A_211 = arith.muli %get3A_204, %mul3A_210 : vector<16xi32>
        %mul3A_212 = arith.constant 21 : i32
        %mul3A_213 = vector.broadcast %mul3A_212 : i32 to vector<16xi32>
        %mul3A_214 = arith.muli %get3A_206, %mul3A_213 : vector<16xi32>
        %add3A_215 = arith.constant 21504 : i32
        %add3A_216 = vector.broadcast %add3A_215 : i32 to vector<16xi32>
        %add3A_217 = arith.addi %mul3A_214, %add3A_216 : vector<16xi32>
        %mul3A_218 = arith.constant 21 : i32
        %mul3A_219 = vector.broadcast %mul3A_218 : i32 to vector<16xi32>
        %mul3A_220 = arith.muli %get3A_208, %mul3A_219 : vector<16xi32>
        %add3A_221 = arith.constant 43008 : i32
        %add3A_222 = vector.broadcast %add3A_221 : i32 to vector<16xi32>
        %add3A_223 = arith.addi %mul3A_220, %add3A_222 : vector<16xi32>
        %mul3A_224 = arith.constant 1024 : i32
        %mul3A_225 = arith.muli %scan3A_159, %mul3A_224 : i32
        %add3A_226 = vector.broadcast %mul3A_225 : i32 to vector<16xi32>
        %add3A_227 = arith.addi %mul3A_5, %add3A_226 : vector<16xi32>
        %add3A_228 = arith.constant 21 : i32
        %add3A_229 = vector.broadcast %add3A_228 : i32 to vector<16xi32>
        %add3A_230 = arith.addi %add3A_227, %add3A_229 : vector<16xi32>
        %add3A_231 = arith.constant 42 : i32
        %add3A_232 = vector.broadcast %add3A_231 : i32 to vector<16xi32>
        %add3A_233 = arith.addi %add3A_227, %add3A_232 : vector<16xi32>
        %add3A_234 = arith.addi %mul3A_211, %get3A_160 : vector<16xi32>
        %gather3A = tpu.vector_load_idx %arg8[%add3A_234] : memref<64512xf32, #tpu.memory_space<vmem>>[vector<16xi32>], vector<16xf32>,
        %add3A_235 = arith.addi %add3A_217, %get3A_160 : vector<16xi32>
        %gather3A_236 = tpu.vector_load_idx %arg8[%add3A_235] : memref<64512xf32, #tpu.memory_space<vmem>>[vector<16xi32>], vector<16xf32>,
        %add3A_237 = arith.addi %add3A_223, %get3A_160 : vector<16xi32>
        %gather3A_238 = tpu.vector_load_idx %arg8[%add3A_237] : memref<64512xf32, #tpu.memory_space<vmem>>[vector<16xi32>], vector<16xf32>,
        %add3A_239 = arith.addi %mul3A_211, %get3A_162 : vector<16xi32>
        %gather3A_240 = tpu.vector_load_idx %arg8[%add3A_239] : memref<64512xf32, #tpu.memory_space<vmem>>[vector<16xi32>], vector<16xf32>,
        %add3A_241 = arith.addi %add3A_217, %get3A_162 : vector<16xi32>
        %gather3A_242 = tpu.vector_load_idx %arg8[%add3A_241] : memref<64512xf32, #tpu.memory_space<vmem>>[vector<16xi32>], vector<16xf32>,
        %add3A_243 = arith.addi %add3A_223, %get3A_162 : vector<16xi32>
        %gather3A_244 = tpu.vector_load_idx %arg8[%add3A_243] : memref<64512xf32, #tpu.memory_space<vmem>>[vector<16xi32>], vector<16xf32>,
        %add3A_245 = arith.addi %mul3A_211, %get3A_164 : vector<16xi32>
        %gather3A_246 = tpu.vector_load_idx %arg8[%add3A_245] : memref<64512xf32, #tpu.memory_space<vmem>>[vector<16xi32>], vector<16xf32>,
        %add3A_247 = arith.addi %add3A_217, %get3A_164 : vector<16xi32>
        %gather3A_248 = tpu.vector_load_idx %arg8[%add3A_247] : memref<64512xf32, #tpu.memory_space<vmem>>[vector<16xi32>], vector<16xf32>,
        %add3A_249 = arith.addi %add3A_223, %get3A_164 : vector<16xi32>
        %gather3A_250 = tpu.vector_load_idx %arg8[%add3A_249] : memref<64512xf32, #tpu.memory_space<vmem>>[vector<16xi32>], vector<16xf32>,
        %add3A_251 = arith.addi %mul3A_211, %get3A_166 : vector<16xi32>
        %gather3A_252 = tpu.vector_load_idx %arg8[%add3A_251] : memref<64512xf32, #tpu.memory_space<vmem>>[vector<16xi32>], vector<16xf32>,
        %add3A_253 = arith.addi %add3A_217, %get3A_166 : vector<16xi32>
        %gather3A_254 = tpu.vector_load_idx %arg8[%add3A_253] : memref<64512xf32, #tpu.memory_space<vmem>>[vector<16xi32>], vector<16xf32>,
        %add3A_255 = arith.addi %add3A_223, %get3A_166 : vector<16xi32>
        %gather3A_256 = tpu.vector_load_idx %arg8[%add3A_255] : memref<64512xf32, #tpu.memory_space<vmem>>[vector<16xi32>], vector<16xf32>,
        %add3A_257 = arith.addi %mul3A_211, %get3A_168 : vector<16xi32>
        %gather3A_258 = tpu.vector_load_idx %arg8[%add3A_257] : memref<64512xf32, #tpu.memory_space<vmem>>[vector<16xi32>], vector<16xf32>,
        %add3A_259 = arith.addi %add3A_217, %get3A_168 : vector<16xi32>
        %gather3A_260 = tpu.vector_load_idx %arg8[%add3A_259] : memref<64512xf32, #tpu.memory_space<vmem>>[vector<16xi32>], vector<16xf32>,
        %add3A_261 = arith.addi %add3A_223, %get3A_168 : vector<16xi32>
        %gather3A_262 = tpu.vector_load_idx %arg8[%add3A_261] : memref<64512xf32, #tpu.memory_space<vmem>>[vector<16xi32>], vector<16xf32>,
        %add3A_263 = arith.addi %mul3A_211, %get3A_170 : vector<16xi32>
        %gather3A_264 = tpu.vector_load_idx %arg8[%add3A_263] : memref<64512xf32, #tpu.memory_space<vmem>>[vector<16xi32>], vector<16xf32>,
        %add3A_265 = arith.addi %add3A_217, %get3A_170 : vector<16xi32>
        %gather3A_266 = tpu.vector_load_idx %arg8[%add3A_265] : memref<64512xf32, #tpu.memory_space<vmem>>[vector<16xi32>], vector<16xf32>,
        %add3A_267 = arith.addi %add3A_223, %get3A_170 : vector<16xi32>
        %gather3A_268 = tpu.vector_load_idx %arg8[%add3A_267] : memref<64512xf32, #tpu.memory_space<vmem>>[vector<16xi32>], vector<16xf32>,
        %add3A_269 = arith.addi %mul3A_211, %get3A_172 : vector<16xi32>
        %gather3A_270 = tpu.vector_load_idx %arg8[%add3A_269] : memref<64512xf32, #tpu.memory_space<vmem>>[vector<16xi32>], vector<16xf32>,
        %add3A_271 = arith.addi %add3A_217, %get3A_172 : vector<16xi32>
        %gather3A_272 = tpu.vector_load_idx %arg8[%add3A_271] : memref<64512xf32, #tpu.memory_space<vmem>>[vector<16xi32>], vector<16xf32>,
        %add3A_273 = arith.addi %add3A_223, %get3A_172 : vector<16xi32>
        %gather3A_274 = tpu.vector_load_idx %arg8[%add3A_273] : memref<64512xf32, #tpu.memory_space<vmem>>[vector<16xi32>], vector<16xf32>,
        %add3A_275 = arith.addi %add3A_227, %get3A_160 : vector<16xi32>
        tpu.vector_store_idx %arg16[%add3A_275], %gather3A : memref<25600xf32, #tpu.memory_space<vmem>>[vector<16xi32>], vector<16xf32>,
        %add3A_276 = arith.addi %add3A_230, %get3A_160 : vector<16xi32>
        tpu.vector_store_idx %arg16[%add3A_276], %gather3A_236 : memref<25600xf32, #tpu.memory_space<vmem>>[vector<16xi32>], vector<16xf32>,
        %add3A_277 = arith.addi %add3A_233, %get3A_160 : vector<16xi32>
        tpu.vector_store_idx %arg16[%add3A_277], %gather3A_238 : memref<25600xf32, #tpu.memory_space<vmem>>[vector<16xi32>], vector<16xf32>,
        %add3A_278 = arith.addi %add3A_227, %get3A_162 : vector<16xi32>
        tpu.vector_store_idx %arg16[%add3A_278], %gather3A_240 : memref<25600xf32, #tpu.memory_space<vmem>>[vector<16xi32>], vector<16xf32>,
        %add3A_279 = arith.addi %add3A_230, %get3A_162 : vector<16xi32>
        tpu.vector_store_idx %arg16[%add3A_279], %gather3A_242 : memref<25600xf32, #tpu.memory_space<vmem>>[vector<16xi32>], vector<16xf32>,
        %add3A_280 = arith.addi %add3A_233, %get3A_162 : vector<16xi32>
        tpu.vector_store_idx %arg16[%add3A_280], %gather3A_244 : memref<25600xf32, #tpu.memory_space<vmem>>[vector<16xi32>], vector<16xf32>,
        %add3A_281 = arith.addi %add3A_227, %get3A_164 : vector<16xi32>
        tpu.vector_store_idx %arg16[%add3A_281], %gather3A_246 : memref<25600xf32, #tpu.memory_space<vmem>>[vector<16xi32>], vector<16xf32>,
        %add3A_282 = arith.addi %add3A_230, %get3A_164 : vector<16xi32>
        tpu.vector_store_idx %arg16[%add3A_282], %gather3A_248 : memref<25600xf32, #tpu.memory_space<vmem>>[vector<16xi32>], vector<16xf32>,
        %add3A_283 = arith.addi %add3A_233, %get3A_164 : vector<16xi32>
        tpu.vector_store_idx %arg16[%add3A_283], %gather3A_250 : memref<25600xf32, #tpu.memory_space<vmem>>[vector<16xi32>], vector<16xf32>,
        %add3A_284 = arith.addi %add3A_227, %get3A_166 : vector<16xi32>
        tpu.vector_store_idx %arg16[%add3A_284], %gather3A_252 : memref<25600xf32, #tpu.memory_space<vmem>>[vector<16xi32>], vector<16xf32>,
        %add3A_285 = arith.addi %add3A_230, %get3A_166 : vector<16xi32>
        tpu.vector_store_idx %arg16[%add3A_285], %gather3A_254 : memref<25600xf32, #tpu.memory_space<vmem>>[vector<16xi32>], vector<16xf32>,
        %add3A_286 = arith.addi %add3A_233, %get3A_166 : vector<16xi32>
        tpu.vector_store_idx %arg16[%add3A_286], %gather3A_256 : memref<25600xf32, #tpu.memory_space<vmem>>[vector<16xi32>], vector<16xf32>,
        %add3A_287 = arith.addi %add3A_227, %get3A_168 : vector<16xi32>
        tpu.vector_store_idx %arg16[%add3A_287], %gather3A_258 : memref<25600xf32, #tpu.memory_space<vmem>>[vector<16xi32>], vector<16xf32>,
        %add3A_288 = arith.addi %add3A_230, %get3A_168 : vector<16xi32>
        tpu.vector_store_idx %arg16[%add3A_288], %gather3A_260 : memref<25600xf32, #tpu.memory_space<vmem>>[vector<16xi32>], vector<16xf32>,
        %add3A_289 = arith.addi %add3A_233, %get3A_168 : vector<16xi32>
        tpu.vector_store_idx %arg16[%add3A_289], %gather3A_262 : memref<25600xf32, #tpu.memory_space<vmem>>[vector<16xi32>], vector<16xf32>,
        %add3A_290 = arith.addi %add3A_227, %get3A_170 : vector<16xi32>
        tpu.vector_store_idx %arg16[%add3A_290], %gather3A_264 : memref<25600xf32, #tpu.memory_space<vmem>>[vector<16xi32>], vector<16xf32>,
        %add3A_291 = arith.addi %add3A_230, %get3A_170 : vector<16xi32>
        tpu.vector_store_idx %arg16[%add3A_291], %gather3A_266 : memref<25600xf32, #tpu.memory_space<vmem>>[vector<16xi32>], vector<16xf32>,
        %add3A_292 = arith.addi %add3A_233, %get3A_170 : vector<16xi32>
        tpu.vector_store_idx %arg16[%add3A_292], %gather3A_268 : memref<25600xf32, #tpu.memory_space<vmem>>[vector<16xi32>], vector<16xf32>,
        %add3A_293 = arith.addi %add3A_227, %get3A_172 : vector<16xi32>
        tpu.vector_store_idx %arg16[%add3A_293], %gather3A_270 : memref<25600xf32, #tpu.memory_space<vmem>>[vector<16xi32>], vector<16xf32>,
        %add3A_294 = arith.addi %add3A_230, %get3A_172 : vector<16xi32>
        tpu.vector_store_idx %arg16[%add3A_294], %gather3A_272 : memref<25600xf32, #tpu.memory_space<vmem>>[vector<16xi32>], vector<16xf32>,
        %add3A_295 = arith.addi %add3A_233, %get3A_172 : vector<16xi32>
        tpu.vector_store_idx %arg16[%add3A_295], %gather3A_274 : memref<25600xf32, #tpu.memory_space<vmem>>[vector<16xi32>], vector<16xf32>,
        %add3A_296 = arith.addi %mul3A_211, %get3A_174 : vector<16xi32>
        %gather3A_297 = tpu.vector_load_idx %arg8[%add3A_296] : memref<64512xf32, #tpu.memory_space<vmem>>[vector<16xi32>], vector<16xf32>,
        %add3A_298 = arith.addi %add3A_217, %get3A_174 : vector<16xi32>
        %gather3A_299 = tpu.vector_load_idx %arg8[%add3A_298] : memref<64512xf32, #tpu.memory_space<vmem>>[vector<16xi32>], vector<16xf32>,
        %add3A_300 = arith.addi %add3A_223, %get3A_174 : vector<16xi32>
        %gather3A_301 = tpu.vector_load_idx %arg8[%add3A_300] : memref<64512xf32, #tpu.memory_space<vmem>>[vector<16xi32>], vector<16xf32>,
        %add3A_302 = arith.addi %mul3A_211, %get3A_176 : vector<16xi32>
        %gather3A_303 = tpu.vector_load_idx %arg8[%add3A_302] : memref<64512xf32, #tpu.memory_space<vmem>>[vector<16xi32>], vector<16xf32>,
        %add3A_304 = arith.addi %add3A_217, %get3A_176 : vector<16xi32>
        %gather3A_305 = tpu.vector_load_idx %arg8[%add3A_304] : memref<64512xf32, #tpu.memory_space<vmem>>[vector<16xi32>], vector<16xf32>,
        %add3A_306 = arith.addi %add3A_223, %get3A_176 : vector<16xi32>
        %gather3A_307 = tpu.vector_load_idx %arg8[%add3A_306] : memref<64512xf32, #tpu.memory_space<vmem>>[vector<16xi32>], vector<16xf32>,
        %add3A_308 = arith.addi %mul3A_211, %get3A_178 : vector<16xi32>
        %gather3A_309 = tpu.vector_load_idx %arg8[%add3A_308] : memref<64512xf32, #tpu.memory_space<vmem>>[vector<16xi32>], vector<16xf32>,
        %add3A_310 = arith.addi %add3A_217, %get3A_178 : vector<16xi32>
        %gather3A_311 = tpu.vector_load_idx %arg8[%add3A_310] : memref<64512xf32, #tpu.memory_space<vmem>>[vector<16xi32>], vector<16xf32>,
        %add3A_312 = arith.addi %add3A_223, %get3A_178 : vector<16xi32>
        %gather3A_313 = tpu.vector_load_idx %arg8[%add3A_312] : memref<64512xf32, #tpu.memory_space<vmem>>[vector<16xi32>], vector<16xf32>,
        %add3A_314 = arith.addi %mul3A_211, %get3A_180 : vector<16xi32>
        %gather3A_315 = tpu.vector_load_idx %arg8[%add3A_314] : memref<64512xf32, #tpu.memory_space<vmem>>[vector<16xi32>], vector<16xf32>,
        %add3A_316 = arith.addi %add3A_217, %get3A_180 : vector<16xi32>
        %gather3A_317 = tpu.vector_load_idx %arg8[%add3A_316] : memref<64512xf32, #tpu.memory_space<vmem>>[vector<16xi32>], vector<16xf32>,
        %add3A_318 = arith.addi %add3A_223, %get3A_180 : vector<16xi32>
        %gather3A_319 = tpu.vector_load_idx %arg8[%add3A_318] : memref<64512xf32, #tpu.memory_space<vmem>>[vector<16xi32>], vector<16xf32>,
        %add3A_320 = arith.addi %mul3A_211, %get3A_182 : vector<16xi32>
        %gather3A_321 = tpu.vector_load_idx %arg8[%add3A_320] : memref<64512xf32, #tpu.memory_space<vmem>>[vector<16xi32>], vector<16xf32>,
        %add3A_322 = arith.addi %add3A_217, %get3A_182 : vector<16xi32>
        %gather3A_323 = tpu.vector_load_idx %arg8[%add3A_322] : memref<64512xf32, #tpu.memory_space<vmem>>[vector<16xi32>], vector<16xf32>,
        %add3A_324 = arith.addi %add3A_223, %get3A_182 : vector<16xi32>
        %gather3A_325 = tpu.vector_load_idx %arg8[%add3A_324] : memref<64512xf32, #tpu.memory_space<vmem>>[vector<16xi32>], vector<16xf32>,
        %add3A_326 = arith.addi %mul3A_211, %get3A_184 : vector<16xi32>
        %gather3A_327 = tpu.vector_load_idx %arg8[%add3A_326] : memref<64512xf32, #tpu.memory_space<vmem>>[vector<16xi32>], vector<16xf32>,
        %add3A_328 = arith.addi %add3A_217, %get3A_184 : vector<16xi32>
        %gather3A_329 = tpu.vector_load_idx %arg8[%add3A_328] : memref<64512xf32, #tpu.memory_space<vmem>>[vector<16xi32>], vector<16xf32>,
        %add3A_330 = arith.addi %add3A_223, %get3A_184 : vector<16xi32>
        %gather3A_331 = tpu.vector_load_idx %arg8[%add3A_330] : memref<64512xf32, #tpu.memory_space<vmem>>[vector<16xi32>], vector<16xf32>,
        %add3A_332 = arith.addi %mul3A_211, %get3A_186 : vector<16xi32>
        %gather3A_333 = tpu.vector_load_idx %arg8[%add3A_332] : memref<64512xf32, #tpu.memory_space<vmem>>[vector<16xi32>], vector<16xf32>,
        %add3A_334 = arith.addi %add3A_217, %get3A_186 : vector<16xi32>
        %gather3A_335 = tpu.vector_load_idx %arg8[%add3A_334] : memref<64512xf32, #tpu.memory_space<vmem>>[vector<16xi32>], vector<16xf32>,
        %add3A_336 = arith.addi %add3A_223, %get3A_186 : vector<16xi32>
        %gather3A_337 = tpu.vector_load_idx %arg8[%add3A_336] : memref<64512xf32, #tpu.memory_space<vmem>>[vector<16xi32>], vector<16xf32>,
        %add3A_338 = arith.addi %add3A_227, %get3A_174 : vector<16xi32>
        tpu.vector_store_idx %arg16[%add3A_338], %gather3A_297 : memref<25600xf32, #tpu.memory_space<vmem>>[vector<16xi32>], vector<16xf32>,
        %add3A_339 = arith.addi %add3A_230, %get3A_174 : vector<16xi32>
        tpu.vector_store_idx %arg16[%add3A_339], %gather3A_299 : memref<25600xf32, #tpu.memory_space<vmem>>[vector<16xi32>], vector<16xf32>,
        %add3A_340 = arith.addi %add3A_233, %get3A_174 : vector<16xi32>
        tpu.vector_store_idx %arg16[%add3A_340], %gather3A_301 : memref<25600xf32, #tpu.memory_space<vmem>>[vector<16xi32>], vector<16xf32>,
        %add3A_341 = arith.addi %add3A_227, %get3A_176 : vector<16xi32>
        tpu.vector_store_idx %arg16[%add3A_341], %gather3A_303 : memref<25600xf32, #tpu.memory_space<vmem>>[vector<16xi32>], vector<16xf32>,
        %add3A_342 = arith.addi %add3A_230, %get3A_176 : vector<16xi32>
        tpu.vector_store_idx %arg16[%add3A_342], %gather3A_305 : memref<25600xf32, #tpu.memory_space<vmem>>[vector<16xi32>], vector<16xf32>,
        %add3A_343 = arith.addi %add3A_233, %get3A_176 : vector<16xi32>
        tpu.vector_store_idx %arg16[%add3A_343], %gather3A_307 : memref<25600xf32, #tpu.memory_space<vmem>>[vector<16xi32>], vector<16xf32>,
        %add3A_344 = arith.addi %add3A_227, %get3A_178 : vector<16xi32>
        tpu.vector_store_idx %arg16[%add3A_344], %gather3A_309 : memref<25600xf32, #tpu.memory_space<vmem>>[vector<16xi32>], vector<16xf32>,
        %add3A_345 = arith.addi %add3A_230, %get3A_178 : vector<16xi32>
        tpu.vector_store_idx %arg16[%add3A_345], %gather3A_311 : memref<25600xf32, #tpu.memory_space<vmem>>[vector<16xi32>], vector<16xf32>,
        %add3A_346 = arith.addi %add3A_233, %get3A_178 : vector<16xi32>
        tpu.vector_store_idx %arg16[%add3A_346], %gather3A_313 : memref<25600xf32, #tpu.memory_space<vmem>>[vector<16xi32>], vector<16xf32>,
        %add3A_347 = arith.addi %add3A_227, %get3A_180 : vector<16xi32>
        tpu.vector_store_idx %arg16[%add3A_347], %gather3A_315 : memref<25600xf32, #tpu.memory_space<vmem>>[vector<16xi32>], vector<16xf32>,
        %add3A_348 = arith.addi %add3A_230, %get3A_180 : vector<16xi32>
        tpu.vector_store_idx %arg16[%add3A_348], %gather3A_317 : memref<25600xf32, #tpu.memory_space<vmem>>[vector<16xi32>], vector<16xf32>,
        %add3A_349 = arith.addi %add3A_233, %get3A_180 : vector<16xi32>
        tpu.vector_store_idx %arg16[%add3A_349], %gather3A_319 : memref<25600xf32, #tpu.memory_space<vmem>>[vector<16xi32>], vector<16xf32>,
        %add3A_350 = arith.addi %add3A_227, %get3A_182 : vector<16xi32>
        tpu.vector_store_idx %arg16[%add3A_350], %gather3A_321 : memref<25600xf32, #tpu.memory_space<vmem>>[vector<16xi32>], vector<16xf32>,
        %add3A_351 = arith.addi %add3A_230, %get3A_182 : vector<16xi32>
        tpu.vector_store_idx %arg16[%add3A_351], %gather3A_323 : memref<25600xf32, #tpu.memory_space<vmem>>[vector<16xi32>], vector<16xf32>,
        %add3A_352 = arith.addi %add3A_233, %get3A_182 : vector<16xi32>
        tpu.vector_store_idx %arg16[%add3A_352], %gather3A_325 : memref<25600xf32, #tpu.memory_space<vmem>>[vector<16xi32>], vector<16xf32>,
        %add3A_353 = arith.addi %add3A_227, %get3A_184 : vector<16xi32>
        tpu.vector_store_idx %arg16[%add3A_353], %gather3A_327 : memref<25600xf32, #tpu.memory_space<vmem>>[vector<16xi32>], vector<16xf32>,
        %add3A_354 = arith.addi %add3A_230, %get3A_184 : vector<16xi32>
        tpu.vector_store_idx %arg16[%add3A_354], %gather3A_329 : memref<25600xf32, #tpu.memory_space<vmem>>[vector<16xi32>], vector<16xf32>,
        %add3A_355 = arith.addi %add3A_233, %get3A_184 : vector<16xi32>
        tpu.vector_store_idx %arg16[%add3A_355], %gather3A_331 : memref<25600xf32, #tpu.memory_space<vmem>>[vector<16xi32>], vector<16xf32>,
        %add3A_356 = arith.addi %add3A_227, %get3A_186 : vector<16xi32>
        tpu.vector_store_idx %arg16[%add3A_356], %gather3A_333 : memref<25600xf32, #tpu.memory_space<vmem>>[vector<16xi32>], vector<16xf32>,
        %add3A_357 = arith.addi %add3A_230, %get3A_186 : vector<16xi32>
        tpu.vector_store_idx %arg16[%add3A_357], %gather3A_335 : memref<25600xf32, #tpu.memory_space<vmem>>[vector<16xi32>], vector<16xf32>,
        %add3A_358 = arith.addi %add3A_233, %get3A_186 : vector<16xi32>
        tpu.vector_store_idx %arg16[%add3A_358], %gather3A_337 : memref<25600xf32, #tpu.memory_space<vmem>>[vector<16xi32>], vector<16xf32>,
        %add3A_359 = arith.addi %mul3A_211, %get3A_188 : vector<16xi32>
        %gather3A_360 = tpu.vector_load_idx %arg8[%add3A_359] : memref<64512xf32, #tpu.memory_space<vmem>>[vector<16xi32>], vector<16xf32>,
        %add3A_361 = arith.addi %add3A_217, %get3A_188 : vector<16xi32>
        %gather3A_362 = tpu.vector_load_idx %arg8[%add3A_361] : memref<64512xf32, #tpu.memory_space<vmem>>[vector<16xi32>], vector<16xf32>,
        %add3A_363 = arith.addi %add3A_223, %get3A_188 : vector<16xi32>
        %gather3A_364 = tpu.vector_load_idx %arg8[%add3A_363] : memref<64512xf32, #tpu.memory_space<vmem>>[vector<16xi32>], vector<16xf32>,
        %add3A_365 = arith.addi %mul3A_211, %get3A_190 : vector<16xi32>
        %gather3A_366 = tpu.vector_load_idx %arg8[%add3A_365] : memref<64512xf32, #tpu.memory_space<vmem>>[vector<16xi32>], vector<16xf32>,
        %add3A_367 = arith.addi %add3A_217, %get3A_190 : vector<16xi32>
        %gather3A_368 = tpu.vector_load_idx %arg8[%add3A_367] : memref<64512xf32, #tpu.memory_space<vmem>>[vector<16xi32>], vector<16xf32>,
        %add3A_369 = arith.addi %add3A_223, %get3A_190 : vector<16xi32>
        %gather3A_370 = tpu.vector_load_idx %arg8[%add3A_369] : memref<64512xf32, #tpu.memory_space<vmem>>[vector<16xi32>], vector<16xf32>,
        %add3A_371 = arith.addi %mul3A_211, %get3A_192 : vector<16xi32>
        %gather3A_372 = tpu.vector_load_idx %arg8[%add3A_371] : memref<64512xf32, #tpu.memory_space<vmem>>[vector<16xi32>], vector<16xf32>,
        %add3A_373 = arith.addi %add3A_217, %get3A_192 : vector<16xi32>
        %gather3A_374 = tpu.vector_load_idx %arg8[%add3A_373] : memref<64512xf32, #tpu.memory_space<vmem>>[vector<16xi32>], vector<16xf32>,
        %add3A_375 = arith.addi %add3A_223, %get3A_192 : vector<16xi32>
        %gather3A_376 = tpu.vector_load_idx %arg8[%add3A_375] : memref<64512xf32, #tpu.memory_space<vmem>>[vector<16xi32>], vector<16xf32>,
        %add3A_377 = arith.addi %mul3A_211, %get3A_194 : vector<16xi32>
        %gather3A_378 = tpu.vector_load_idx %arg8[%add3A_377] : memref<64512xf32, #tpu.memory_space<vmem>>[vector<16xi32>], vector<16xf32>,
        %add3A_379 = arith.addi %add3A_217, %get3A_194 : vector<16xi32>
        %gather3A_380 = tpu.vector_load_idx %arg8[%add3A_379] : memref<64512xf32, #tpu.memory_space<vmem>>[vector<16xi32>], vector<16xf32>,
        %add3A_381 = arith.addi %add3A_223, %get3A_194 : vector<16xi32>
        %gather3A_382 = tpu.vector_load_idx %arg8[%add3A_381] : memref<64512xf32, #tpu.memory_space<vmem>>[vector<16xi32>], vector<16xf32>,
        %add3A_383 = arith.addi %mul3A_211, %get3A_196 : vector<16xi32>
        %gather3A_384 = tpu.vector_load_idx %arg8[%add3A_383] : memref<64512xf32, #tpu.memory_space<vmem>>[vector<16xi32>], vector<16xf32>,
        %add3A_385 = arith.addi %add3A_217, %get3A_196 : vector<16xi32>
        %gather3A_386 = tpu.vector_load_idx %arg8[%add3A_385] : memref<64512xf32, #tpu.memory_space<vmem>>[vector<16xi32>], vector<16xf32>,
        %add3A_387 = arith.addi %add3A_223, %get3A_196 : vector<16xi32>
        %gather3A_388 = tpu.vector_load_idx %arg8[%add3A_387] : memref<64512xf32, #tpu.memory_space<vmem>>[vector<16xi32>], vector<16xf32>,
        %add3A_389 = arith.addi %mul3A_211, %get3A_198 : vector<16xi32>
        %gather3A_390 = tpu.vector_load_idx %arg8[%add3A_389] : memref<64512xf32, #tpu.memory_space<vmem>>[vector<16xi32>], vector<16xf32>,
        %add3A_391 = arith.addi %add3A_217, %get3A_198 : vector<16xi32>
        %gather3A_392 = tpu.vector_load_idx %arg8[%add3A_391] : memref<64512xf32, #tpu.memory_space<vmem>>[vector<16xi32>], vector<16xf32>,
        %add3A_393 = arith.addi %add3A_223, %get3A_198 : vector<16xi32>
        %gather3A_394 = tpu.vector_load_idx %arg8[%add3A_393] : memref<64512xf32, #tpu.memory_space<vmem>>[vector<16xi32>], vector<16xf32>,
        %add3A_395 = arith.addi %mul3A_211, %get3A_200 : vector<16xi32>
        %gather3A_396 = tpu.vector_load_idx %arg8[%add3A_395] : memref<64512xf32, #tpu.memory_space<vmem>>[vector<16xi32>], vector<16xf32>,
        %add3A_397 = arith.addi %add3A_217, %get3A_200 : vector<16xi32>
        %gather3A_398 = tpu.vector_load_idx %arg8[%add3A_397] : memref<64512xf32, #tpu.memory_space<vmem>>[vector<16xi32>], vector<16xf32>,
        %add3A_399 = arith.addi %add3A_223, %get3A_200 : vector<16xi32>
        %gather3A_400 = tpu.vector_load_idx %arg8[%add3A_399] : memref<64512xf32, #tpu.memory_space<vmem>>[vector<16xi32>], vector<16xf32>,
        %add3A_401 = arith.addi %add3A_227, %get3A_188 : vector<16xi32>
        tpu.vector_store_idx %arg16[%add3A_401], %gather3A_360 : memref<25600xf32, #tpu.memory_space<vmem>>[vector<16xi32>], vector<16xf32>,
        %add3A_402 = arith.addi %add3A_230, %get3A_188 : vector<16xi32>
        tpu.vector_store_idx %arg16[%add3A_402], %gather3A_362 : memref<25600xf32, #tpu.memory_space<vmem>>[vector<16xi32>], vector<16xf32>,
        %add3A_403 = arith.addi %add3A_233, %get3A_188 : vector<16xi32>
        tpu.vector_store_idx %arg16[%add3A_403], %gather3A_364 : memref<25600xf32, #tpu.memory_space<vmem>>[vector<16xi32>], vector<16xf32>,
        %add3A_404 = arith.addi %add3A_227, %get3A_190 : vector<16xi32>
        tpu.vector_store_idx %arg16[%add3A_404], %gather3A_366 : memref<25600xf32, #tpu.memory_space<vmem>>[vector<16xi32>], vector<16xf32>,
        %add3A_405 = arith.addi %add3A_230, %get3A_190 : vector<16xi32>
        tpu.vector_store_idx %arg16[%add3A_405], %gather3A_368 : memref<25600xf32, #tpu.memory_space<vmem>>[vector<16xi32>], vector<16xf32>,
        %add3A_406 = arith.addi %add3A_233, %get3A_190 : vector<16xi32>
        tpu.vector_store_idx %arg16[%add3A_406], %gather3A_370 : memref<25600xf32, #tpu.memory_space<vmem>>[vector<16xi32>], vector<16xf32>,
        %add3A_407 = arith.addi %add3A_227, %get3A_192 : vector<16xi32>
        tpu.vector_store_idx %arg16[%add3A_407], %gather3A_372 : memref<25600xf32, #tpu.memory_space<vmem>>[vector<16xi32>], vector<16xf32>,
        %add3A_408 = arith.addi %add3A_230, %get3A_192 : vector<16xi32>
        tpu.vector_store_idx %arg16[%add3A_408], %gather3A_374 : memref<25600xf32, #tpu.memory_space<vmem>>[vector<16xi32>], vector<16xf32>,
        %add3A_409 = arith.addi %add3A_233, %get3A_192 : vector<16xi32>
        tpu.vector_store_idx %arg16[%add3A_409], %gather3A_376 : memref<25600xf32, #tpu.memory_space<vmem>>[vector<16xi32>], vector<16xf32>,
        %add3A_410 = arith.addi %add3A_227, %get3A_194 : vector<16xi32>
        tpu.vector_store_idx %arg16[%add3A_410], %gather3A_378 : memref<25600xf32, #tpu.memory_space<vmem>>[vector<16xi32>], vector<16xf32>,
        %add3A_411 = arith.addi %add3A_230, %get3A_194 : vector<16xi32>
        tpu.vector_store_idx %arg16[%add3A_411], %gather3A_380 : memref<25600xf32, #tpu.memory_space<vmem>>[vector<16xi32>], vector<16xf32>,
        %add3A_412 = arith.addi %add3A_233, %get3A_194 : vector<16xi32>
        tpu.vector_store_idx %arg16[%add3A_412], %gather3A_382 : memref<25600xf32, #tpu.memory_space<vmem>>[vector<16xi32>], vector<16xf32>,
        %add3A_413 = arith.addi %add3A_227, %get3A_196 : vector<16xi32>
        tpu.vector_store_idx %arg16[%add3A_413], %gather3A_384 : memref<25600xf32, #tpu.memory_space<vmem>>[vector<16xi32>], vector<16xf32>,
        %add3A_414 = arith.addi %add3A_230, %get3A_196 : vector<16xi32>
        tpu.vector_store_idx %arg16[%add3A_414], %gather3A_386 : memref<25600xf32, #tpu.memory_space<vmem>>[vector<16xi32>], vector<16xf32>,
        %add3A_415 = arith.addi %add3A_233, %get3A_196 : vector<16xi32>
        tpu.vector_store_idx %arg16[%add3A_415], %gather3A_388 : memref<25600xf32, #tpu.memory_space<vmem>>[vector<16xi32>], vector<16xf32>,
        %add3A_416 = arith.addi %add3A_227, %get3A_198 : vector<16xi32>
        tpu.vector_store_idx %arg16[%add3A_416], %gather3A_390 : memref<25600xf32, #tpu.memory_space<vmem>>[vector<16xi32>], vector<16xf32>,
        %add3A_417 = arith.addi %add3A_230, %get3A_198 : vector<16xi32>
        tpu.vector_store_idx %arg16[%add3A_417], %gather3A_392 : memref<25600xf32, #tpu.memory_space<vmem>>[vector<16xi32>], vector<16xf32>,
        %add3A_418 = arith.addi %add3A_233, %get3A_198 : vector<16xi32>
        tpu.vector_store_idx %arg16[%add3A_418], %gather3A_394 : memref<25600xf32, #tpu.memory_space<vmem>>[vector<16xi32>], vector<16xf32>,
        %add3A_419 = arith.addi %add3A_227, %get3A_200 : vector<16xi32>
        tpu.vector_store_idx %arg16[%add3A_419], %gather3A_396 : memref<25600xf32, #tpu.memory_space<vmem>>[vector<16xi32>], vector<16xf32>,
        %add3A_420 = arith.addi %add3A_230, %get3A_200 : vector<16xi32>
        tpu.vector_store_idx %arg16[%add3A_420], %gather3A_398 : memref<25600xf32, #tpu.memory_space<vmem>>[vector<16xi32>], vector<16xf32>,
        %add3A_421 = arith.addi %add3A_233, %get3A_200 : vector<16xi32>
        tpu.vector_store_idx %arg16[%add3A_421], %gather3A_400 : memref<25600xf32, #tpu.memory_space<vmem>>[vector<16xi32>], vector<16xf32>,
        %add3A_422 = arith.constant 63 : i32
        %add3A_423 = vector.broadcast %add3A_422 : i32 to vector<16xi32>
        %add3A_424 = arith.addi %add3A_227, %add3A_423 : vector<16xi32>
        tpu.vector_store_idx %arg16[%add3A_424], %broadcast_in_dim3A_6 : memref<25600xf32, #tpu.memory_space<vmem>>[vector<16xi32>], vector<16xf32>,
      }
      %scan3A_91 = arith.constant 25 : i32
      %mul3A_92 = arith.constant 400 : i32
      %mul3A_93 = arith.muli %add3A_62, %mul3A_92 : i32
      %add3A_94 = arith.addi %mul3A_2, %mul3A_93 : i32
      %mul3A_95 = arith.constant 64 : i32
      %mul3A_96 = arith.muli %add3A_94, %mul3A_95 : i32
      %dma_start3A_97 = arith.constant 0 : i32
      %dma_start3A_98 = tpu.memref_slice %arg7[%mul3A_96] : memref<52428800xf32, #tpu.memory_space<hbm>> -> memref<25600xf32, #tpu.memory_space<hbm>>
      %dma_start3A_99 = tpu.memref_slice %arg19[%dma_start3A_97] : memref<2x!tpu.dma_semaphore, #tpu.memory_space<semaphore_mem>> -> memref<1x!tpu.dma_semaphore, #tpu.memory_space<semaphore_mem>>
      %dma_start3A_100 = tpu.memref_squeeze %dma_start3A_99 : memref<1x!tpu.dma_semaphore, #tpu.memory_space<semaphore_mem>> -> memref<!tpu.dma_semaphore, #tpu.memory_space<semaphore_mem>>
      %dma_start3A_101 = tpu.memref_slice %arg7[%mul3A_96] : memref<52428800xf32, #tpu.memory_space<hbm>> -> memref<25600xf32, #tpu.memory_space<hbm>>
      tpu.enqueue_dma source(%arg16 : memref<25600xf32, #tpu.memory_space<vmem>>) target(%dma_start3A_101 : memref<25600xf32, #tpu.memory_space<hbm>>) target_semaphore(%dma_start3A_100 : memref<!tpu.dma_semaphore, #tpu.memory_space<semaphore_mem>>)
      %add3A_102 = arith.constant 2 : i32
      %add3A_103 = arith.addi %add3A_62, %add3A_102 : i32
      %lt3A = arith.constant 64 : i32
      %lt3A_104 = arith.cmpi slt, %add3A_103, %lt3A : i32
      %convert_element_type3A_105 = arith.extui %lt3A_104 : i1 to i32
      %cond3A_106 = arith.constant 0 : i32
      %cond3A_107 = arith.cmpi ne, %convert_element_type3A_105, %cond3A_106 : i32
      scf.if %cond3A_107 {
        %add3A_159 = arith.constant 2 : i32
        %add3A_160 = arith.addi %add3A_62, %add3A_159 : i32
        %mul3A_161 = arith.constant 400 : i32
        %mul3A_162 = arith.muli %add3A_160, %mul3A_161 : i32
        %add3A_163 = arith.addi %mul3A_2, %mul3A_162 : i32
        %dma_start3A_164 = arith.constant 0 : i32
        %dma_start3A_165 = tpu.memref_slice %arg4[%add3A_163] : memref<819200xi32, #tpu.memory_space<hbm>> -> memref<400xi32, #tpu.memory_space<hbm>>
        %dma_start3A_166 = tpu.memref_slice %arg18[%dma_start3A_164] : memref<2x!tpu.dma_semaphore, #tpu.memory_space<semaphore_mem>> -> memref<1x!tpu.dma_semaphore, #tpu.memory_space<semaphore_mem>>
        %dma_start3A_167 = tpu.memref_squeeze %dma_start3A_166 : memref<1x!tpu.dma_semaphore, #tpu.memory_space<semaphore_mem>> -> memref<!tpu.dma_semaphore, #tpu.memory_space<semaphore_mem>>
        %dma_start3A_168 = tpu.memref_slice %arg4[%add3A_163] : memref<819200xi32, #tpu.memory_space<hbm>> -> memref<400xi32, #tpu.memory_space<hbm>>
        tpu.enqueue_dma source(%dma_start3A_168 : memref<400xi32, #tpu.memory_space<hbm>>) target(%arg10 : memref<400xi32, #tpu.memory_space<vmem>>) target_semaphore(%dma_start3A_167 : memref<!tpu.dma_semaphore, #tpu.memory_space<semaphore_mem>>)
        %dma_start3A_169 = arith.constant 0 : i32
        %dma_start3A_170 = tpu.memref_slice %arg5[%add3A_163] : memref<819200xi32, #tpu.memory_space<hbm>> -> memref<400xi32, #tpu.memory_space<hbm>>
        %dma_start3A_171 = tpu.memref_slice %arg18[%dma_start3A_169] : memref<2x!tpu.dma_semaphore, #tpu.memory_space<semaphore_mem>> -> memref<1x!tpu.dma_semaphore, #tpu.memory_space<semaphore_mem>>
        %dma_start3A_172 = tpu.memref_squeeze %dma_start3A_171 : memref<1x!tpu.dma_semaphore, #tpu.memory_space<semaphore_mem>> -> memref<!tpu.dma_semaphore, #tpu.memory_space<semaphore_mem>>
        %dma_start3A_173 = tpu.memref_slice %arg5[%add3A_163] : memref<819200xi32, #tpu.memory_space<hbm>> -> memref<400xi32, #tpu.memory_space<hbm>>
        tpu.enqueue_dma source(%dma_start3A_173 : memref<400xi32, #tpu.memory_space<hbm>>) target(%arg11 : memref<400xi32, #tpu.memory_space<vmem>>) target_semaphore(%dma_start3A_172 : memref<!tpu.dma_semaphore, #tpu.memory_space<semaphore_mem>>)
        %dma_start3A_174 = arith.constant 0 : i32
        %dma_start3A_175 = tpu.memref_slice %arg6[%add3A_163] : memref<819200xi32, #tpu.memory_space<hbm>> -> memref<400xi32, #tpu.memory_space<hbm>>
        %dma_start3A_176 = tpu.memref_slice %arg18[%dma_start3A_174] : memref<2x!tpu.dma_semaphore, #tpu.memory_space<semaphore_mem>> -> memref<1x!tpu.dma_semaphore, #tpu.memory_space<semaphore_mem>>
        %dma_start3A_177 = tpu.memref_squeeze %dma_start3A_176 : memref<1x!tpu.dma_semaphore, #tpu.memory_space<semaphore_mem>> -> memref<!tpu.dma_semaphore, #tpu.memory_space<semaphore_mem>>
        %dma_start3A_178 = tpu.memref_slice %arg6[%add3A_163] : memref<819200xi32, #tpu.memory_space<hbm>> -> memref<400xi32, #tpu.memory_space<hbm>>
        tpu.enqueue_dma source(%dma_start3A_178 : memref<400xi32, #tpu.memory_space<hbm>>) target(%arg12 : memref<400xi32, #tpu.memory_space<vmem>>) target_semaphore(%dma_start3A_177 : memref<!tpu.dma_semaphore, #tpu.memory_space<semaphore_mem>>)
      } else {
      }
      %add3A_108 = arith.constant 1 : i32
      %add3A_109 = arith.addi %mul3A_60, %add3A_108 : i32
      %dma_wait3A_110 = arith.constant 1 : i32
      %dma_wait3A_111 = arith.constant 0 : i32
      %dma_wait3A_112 = tpu.memref_slice %arg4[%dma_wait3A_111] : memref<819200xi32, #tpu.memory_space<hbm>> -> memref<400xi32, #tpu.memory_space<hbm>>
      %dma_wait3A_113 = tpu.memref_slice %arg18[%dma_wait3A_110] : memref<2x!tpu.dma_semaphore, #tpu.memory_space<semaphore_mem>> -> memref<1x!tpu.dma_semaphore, #tpu.memory_space<semaphore_mem>>
      %dma_wait3A_114 = tpu.memref_squeeze %dma_wait3A_113 : memref<1x!tpu.dma_semaphore, #tpu.memory_space<semaphore_mem>> -> memref<!tpu.dma_semaphore, #tpu.memory_space<semaphore_mem>>
      %dma_wait3A_115 = arith.constant 0 : i32
      %dma_wait3A_116 = tpu.memref_slice %arg4[%dma_wait3A_115] : memref<819200xi32, #tpu.memory_space<hbm>> -> memref<400xi32, #tpu.memory_space<hbm>>
      tpu.wait_dma2 semaphore(%dma_wait3A_114 : memref<!tpu.dma_semaphore, #tpu.memory_space<semaphore_mem>>) src(%dma_wait3A_116 : memref<400xi32, #tpu.memory_space<hbm>>) dst(%arg13 : memref<400xi32, #tpu.memory_space<vmem>>)
      %dma_wait3A_117 = arith.constant 1 : i32
      %dma_wait3A_118 = arith.constant 0 : i32
      %dma_wait3A_119 = tpu.memref_slice %arg5[%dma_wait3A_118] : memref<819200xi32, #tpu.memory_space<hbm>> -> memref<400xi32, #tpu.memory_space<hbm>>
      %dma_wait3A_120 = tpu.memref_slice %arg18[%dma_wait3A_117] : memref<2x!tpu.dma_semaphore, #tpu.memory_space<semaphore_mem>> -> memref<1x!tpu.dma_semaphore, #tpu.memory_space<semaphore_mem>>
      %dma_wait3A_121 = tpu.memref_squeeze %dma_wait3A_120 : memref<1x!tpu.dma_semaphore, #tpu.memory_space<semaphore_mem>> -> memref<!tpu.dma_semaphore, #tpu.memory_space<semaphore_mem>>
      %dma_wait3A_122 = arith.constant 0 : i32
      %dma_wait3A_123 = tpu.memref_slice %arg5[%dma_wait3A_122] : memref<819200xi32, #tpu.memory_space<hbm>> -> memref<400xi32, #tpu.memory_space<hbm>>
      tpu.wait_dma2 semaphore(%dma_wait3A_121 : memref<!tpu.dma_semaphore, #tpu.memory_space<semaphore_mem>>) src(%dma_wait3A_123 : memref<400xi32, #tpu.memory_space<hbm>>) dst(%arg14 : memref<400xi32, #tpu.memory_space<vmem>>)
      %dma_wait3A_124 = arith.constant 1 : i32
      %dma_wait3A_125 = arith.constant 0 : i32
      %dma_wait3A_126 = tpu.memref_slice %arg6[%dma_wait3A_125] : memref<819200xi32, #tpu.memory_space<hbm>> -> memref<400xi32, #tpu.memory_space<hbm>>
      %dma_wait3A_127 = tpu.memref_slice %arg18[%dma_wait3A_124] : memref<2x!tpu.dma_semaphore, #tpu.memory_space<semaphore_mem>> -> memref<1x!tpu.dma_semaphore, #tpu.memory_space<semaphore_mem>>
      %dma_wait3A_128 = tpu.memref_squeeze %dma_wait3A_127 : memref<1x!tpu.dma_semaphore, #tpu.memory_space<semaphore_mem>> -> memref<!tpu.dma_semaphore, #tpu.memory_space<semaphore_mem>>
      %dma_wait3A_129 = arith.constant 0 : i32
      %dma_wait3A_130 = tpu.memref_slice %arg6[%dma_wait3A_129] : memref<819200xi32, #tpu.memory_space<hbm>> -> memref<400xi32, #tpu.memory_space<hbm>>
      tpu.wait_dma2 semaphore(%dma_wait3A_128 : memref<!tpu.dma_semaphore, #tpu.memory_space<semaphore_mem>>) src(%dma_wait3A_130 : memref<400xi32, #tpu.memory_space<hbm>>) dst(%arg15 : memref<400xi32, #tpu.memory_space<vmem>>)
      %ge3A_131 = arith.constant 2 : i32
      %ge3A_132 = arith.cmpi sge, %add3A_109, %ge3A_131 : i32
      %convert_element_type3A_133 = arith.extui %ge3A_132 : i1 to i32
      %cond3A_134 = arith.constant 0 : i32
      %cond3A_135 = arith.cmpi ne, %convert_element_type3A_133, %cond3A_134 : i32
      scf.if %cond3A_135 {
        %dma_wait3A_159 = arith.constant 1 : i32
        %dma_wait3A_160 = arith.constant 0 : i32
        %dma_wait3A_161 = tpu.memref_slice %arg7[%dma_wait3A_160] : memref<52428800xf32, #tpu.memory_space<hbm>> -> memref<25600xf32, #tpu.memory_space<hbm>>
        %dma_wait3A_162 = tpu.memref_slice %arg19[%dma_wait3A_159] : memref<2x!tpu.dma_semaphore, #tpu.memory_space<semaphore_mem>> -> memref<1x!tpu.dma_semaphore, #tpu.memory_space<semaphore_mem>>
        %dma_wait3A_163 = tpu.memref_squeeze %dma_wait3A_162 : memref<1x!tpu.dma_semaphore, #tpu.memory_space<semaphore_mem>> -> memref<!tpu.dma_semaphore, #tpu.memory_space<semaphore_mem>>
        %dma_wait3A_164 = arith.constant 0 : i32
        %dma_wait3A_165 = tpu.memref_slice %arg7[%dma_wait3A_164] : memref<52428800xf32, #tpu.memory_space<hbm>> -> memref<25600xf32, #tpu.memory_space<hbm>>
        tpu.wait_dma2 semaphore(%dma_wait3A_163 : memref<!tpu.dma_semaphore, #tpu.memory_space<semaphore_mem>>) src(%arg17 : memref<25600xf32, #tpu.memory_space<vmem>>) dst(%dma_wait3A_165 : memref<25600xf32, #tpu.memory_space<hbm>>)
      } else {
      }
      %scan3A_136 = arith.constant 0 : i32
      %scan3A_137 = arith.constant 0 : i32
      %scan3A_138 = arith.constant 25 : i32
      %scan3A_139 = arith.addi %scan3A_137, %scan3A_138 : i32
      %scan3A_140 = arith.constant 1 : i32
      scf.for %scan3A_159 = %scan3A_137 to %scan3A_139 step %scan3A_140  : i32 {
        %get3A = arith.constant 0 : index
        %get3A_160 = tpu.vector_load %arg9[%get3A] {strides = array<i32>} : memref<336xi32, #tpu.memory_space<vmem>>, vector<16xi32>,
        %get3A_161 = arith.constant 16 : index
        %get3A_162 = tpu.vector_load %arg9[%get3A_161] {strides = array<i32>} : memref<336xi32, #tpu.memory_space<vmem>>, vector<16xi32>,
        %get3A_163 = arith.constant 32 : index
        %get3A_164 = tpu.vector_load %arg9[%get3A_163] {strides = array<i32>} : memref<336xi32, #tpu.memory_space<vmem>>, vector<16xi32>,
        %get3A_165 = arith.constant 48 : index
        %get3A_166 = tpu.vector_load %arg9[%get3A_165] {strides = array<i32>} : memref<336xi32, #tpu.memory_space<vmem>>, vector<16xi32>,
        %get3A_167 = arith.constant 64 : index
        %get3A_168 = tpu.vector_load %arg9[%get3A_167] {strides = array<i32>} : memref<336xi32, #tpu.memory_space<vmem>>, vector<16xi32>,
        %get3A_169 = arith.constant 80 : index
        %get3A_170 = tpu.vector_load %arg9[%get3A_169] {strides = array<i32>} : memref<336xi32, #tpu.memory_space<vmem>>, vector<16xi32>,
        %get3A_171 = arith.constant 96 : index
        %get3A_172 = tpu.vector_load %arg9[%get3A_171] {strides = array<i32>} : memref<336xi32, #tpu.memory_space<vmem>>, vector<16xi32>,
        %get3A_173 = arith.constant 112 : index
        %get3A_174 = tpu.vector_load %arg9[%get3A_173] {strides = array<i32>} : memref<336xi32, #tpu.memory_space<vmem>>, vector<16xi32>,
        %get3A_175 = arith.constant 128 : index
        %get3A_176 = tpu.vector_load %arg9[%get3A_175] {strides = array<i32>} : memref<336xi32, #tpu.memory_space<vmem>>, vector<16xi32>,
        %get3A_177 = arith.constant 144 : index
        %get3A_178 = tpu.vector_load %arg9[%get3A_177] {strides = array<i32>} : memref<336xi32, #tpu.memory_space<vmem>>, vector<16xi32>,
        %get3A_179 = arith.constant 160 : index
        %get3A_180 = tpu.vector_load %arg9[%get3A_179] {strides = array<i32>} : memref<336xi32, #tpu.memory_space<vmem>>, vector<16xi32>,
        %get3A_181 = arith.constant 176 : index
        %get3A_182 = tpu.vector_load %arg9[%get3A_181] {strides = array<i32>} : memref<336xi32, #tpu.memory_space<vmem>>, vector<16xi32>,
        %get3A_183 = arith.constant 192 : index
        %get3A_184 = tpu.vector_load %arg9[%get3A_183] {strides = array<i32>} : memref<336xi32, #tpu.memory_space<vmem>>, vector<16xi32>,
        %get3A_185 = arith.constant 208 : index
        %get3A_186 = tpu.vector_load %arg9[%get3A_185] {strides = array<i32>} : memref<336xi32, #tpu.memory_space<vmem>>, vector<16xi32>,
        %get3A_187 = arith.constant 224 : index
        %get3A_188 = tpu.vector_load %arg9[%get3A_187] {strides = array<i32>} : memref<336xi32, #tpu.memory_space<vmem>>, vector<16xi32>,
        %get3A_189 = arith.constant 240 : index
        %get3A_190 = tpu.vector_load %arg9[%get3A_189] {strides = array<i32>} : memref<336xi32, #tpu.memory_space<vmem>>, vector<16xi32>,
        %get3A_191 = arith.constant 256 : index
        %get3A_192 = tpu.vector_load %arg9[%get3A_191] {strides = array<i32>} : memref<336xi32, #tpu.memory_space<vmem>>, vector<16xi32>,
        %get3A_193 = arith.constant 272 : index
        %get3A_194 = tpu.vector_load %arg9[%get3A_193] {strides = array<i32>} : memref<336xi32, #tpu.memory_space<vmem>>, vector<16xi32>,
        %get3A_195 = arith.constant 288 : index
        %get3A_196 = tpu.vector_load %arg9[%get3A_195] {strides = array<i32>} : memref<336xi32, #tpu.memory_space<vmem>>, vector<16xi32>,
        %get3A_197 = arith.constant 304 : index
        %get3A_198 = tpu.vector_load %arg9[%get3A_197] {strides = array<i32>} : memref<336xi32, #tpu.memory_space<vmem>>, vector<16xi32>,
        %get3A_199 = arith.constant 320 : index
        %get3A_200 = tpu.vector_load %arg9[%get3A_199] {strides = array<i32>} : memref<336xi32, #tpu.memory_space<vmem>>, vector<16xi32>,
        %mul3A_201 = arith.constant 16 : i32
        %mul3A_202 = arith.muli %scan3A_159, %mul3A_201 : i32
        %get3A_203 = arith.index_cast %mul3A_202 : i32 to index
        %get3A_204 = tpu.vector_load %arg13[%get3A_203] {strides = array<i32>} : memref<400xi32, #tpu.memory_space<vmem>>, vector<16xi32>,
        %get3A_205 = arith.index_cast %mul3A_202 : i32 to index
        %get3A_206 = tpu.vector_load %arg14[%get3A_205] {strides = array<i32>} : memref<400xi32, #tpu.memory_space<vmem>>, vector<16xi32>,
        %get3A_207 = arith.index_cast %mul3A_202 : i32 to index
        %get3A_208 = tpu.vector_load %arg15[%get3A_207] {strides = array<i32>} : memref<400xi32, #tpu.memory_space<vmem>>, vector<16xi32>,
        %mul3A_209 = arith.constant 21 : i32
        %mul3A_210 = vector.broadcast %mul3A_209 : i32 to vector<16xi32>
        %mul3A_211 = arith.muli %get3A_204, %mul3A_210 : vector<16xi32>
        %mul3A_212 = arith.constant 21 : i32
        %mul3A_213 = vector.broadcast %mul3A_212 : i32 to vector<16xi32>
        %mul3A_214 = arith.muli %get3A_206, %mul3A_213 : vector<16xi32>
        %add3A_215 = arith.constant 21504 : i32
        %add3A_216 = vector.broadcast %add3A_215 : i32 to vector<16xi32>
        %add3A_217 = arith.addi %mul3A_214, %add3A_216 : vector<16xi32>
        %mul3A_218 = arith.constant 21 : i32
        %mul3A_219 = vector.broadcast %mul3A_218 : i32 to vector<16xi32>
        %mul3A_220 = arith.muli %get3A_208, %mul3A_219 : vector<16xi32>
        %add3A_221 = arith.constant 43008 : i32
        %add3A_222 = vector.broadcast %add3A_221 : i32 to vector<16xi32>
        %add3A_223 = arith.addi %mul3A_220, %add3A_222 : vector<16xi32>
        %mul3A_224 = arith.constant 1024 : i32
        %mul3A_225 = arith.muli %scan3A_159, %mul3A_224 : i32
        %add3A_226 = vector.broadcast %mul3A_225 : i32 to vector<16xi32>
        %add3A_227 = arith.addi %mul3A_5, %add3A_226 : vector<16xi32>
        %add3A_228 = arith.constant 21 : i32
        %add3A_229 = vector.broadcast %add3A_228 : i32 to vector<16xi32>
        %add3A_230 = arith.addi %add3A_227, %add3A_229 : vector<16xi32>
        %add3A_231 = arith.constant 42 : i32
        %add3A_232 = vector.broadcast %add3A_231 : i32 to vector<16xi32>
        %add3A_233 = arith.addi %add3A_227, %add3A_232 : vector<16xi32>
        %add3A_234 = arith.addi %mul3A_211, %get3A_160 : vector<16xi32>
        %gather3A = tpu.vector_load_idx %arg8[%add3A_234] : memref<64512xf32, #tpu.memory_space<vmem>>[vector<16xi32>], vector<16xf32>,
        %add3A_235 = arith.addi %add3A_217, %get3A_160 : vector<16xi32>
        %gather3A_236 = tpu.vector_load_idx %arg8[%add3A_235] : memref<64512xf32, #tpu.memory_space<vmem>>[vector<16xi32>], vector<16xf32>,
        %add3A_237 = arith.addi %add3A_223, %get3A_160 : vector<16xi32>
        %gather3A_238 = tpu.vector_load_idx %arg8[%add3A_237] : memref<64512xf32, #tpu.memory_space<vmem>>[vector<16xi32>], vector<16xf32>,
        %add3A_239 = arith.addi %mul3A_211, %get3A_162 : vector<16xi32>
        %gather3A_240 = tpu.vector_load_idx %arg8[%add3A_239] : memref<64512xf32, #tpu.memory_space<vmem>>[vector<16xi32>], vector<16xf32>,
        %add3A_241 = arith.addi %add3A_217, %get3A_162 : vector<16xi32>
        %gather3A_242 = tpu.vector_load_idx %arg8[%add3A_241] : memref<64512xf32, #tpu.memory_space<vmem>>[vector<16xi32>], vector<16xf32>,
        %add3A_243 = arith.addi %add3A_223, %get3A_162 : vector<16xi32>
        %gather3A_244 = tpu.vector_load_idx %arg8[%add3A_243] : memref<64512xf32, #tpu.memory_space<vmem>>[vector<16xi32>], vector<16xf32>,
        %add3A_245 = arith.addi %mul3A_211, %get3A_164 : vector<16xi32>
        %gather3A_246 = tpu.vector_load_idx %arg8[%add3A_245] : memref<64512xf32, #tpu.memory_space<vmem>>[vector<16xi32>], vector<16xf32>,
        %add3A_247 = arith.addi %add3A_217, %get3A_164 : vector<16xi32>
        %gather3A_248 = tpu.vector_load_idx %arg8[%add3A_247] : memref<64512xf32, #tpu.memory_space<vmem>>[vector<16xi32>], vector<16xf32>,
        %add3A_249 = arith.addi %add3A_223, %get3A_164 : vector<16xi32>
        %gather3A_250 = tpu.vector_load_idx %arg8[%add3A_249] : memref<64512xf32, #tpu.memory_space<vmem>>[vector<16xi32>], vector<16xf32>,
        %add3A_251 = arith.addi %mul3A_211, %get3A_166 : vector<16xi32>
        %gather3A_252 = tpu.vector_load_idx %arg8[%add3A_251] : memref<64512xf32, #tpu.memory_space<vmem>>[vector<16xi32>], vector<16xf32>,
        %add3A_253 = arith.addi %add3A_217, %get3A_166 : vector<16xi32>
        %gather3A_254 = tpu.vector_load_idx %arg8[%add3A_253] : memref<64512xf32, #tpu.memory_space<vmem>>[vector<16xi32>], vector<16xf32>,
        %add3A_255 = arith.addi %add3A_223, %get3A_166 : vector<16xi32>
        %gather3A_256 = tpu.vector_load_idx %arg8[%add3A_255] : memref<64512xf32, #tpu.memory_space<vmem>>[vector<16xi32>], vector<16xf32>,
        %add3A_257 = arith.addi %mul3A_211, %get3A_168 : vector<16xi32>
        %gather3A_258 = tpu.vector_load_idx %arg8[%add3A_257] : memref<64512xf32, #tpu.memory_space<vmem>>[vector<16xi32>], vector<16xf32>,
        %add3A_259 = arith.addi %add3A_217, %get3A_168 : vector<16xi32>
        %gather3A_260 = tpu.vector_load_idx %arg8[%add3A_259] : memref<64512xf32, #tpu.memory_space<vmem>>[vector<16xi32>], vector<16xf32>,
        %add3A_261 = arith.addi %add3A_223, %get3A_168 : vector<16xi32>
        %gather3A_262 = tpu.vector_load_idx %arg8[%add3A_261] : memref<64512xf32, #tpu.memory_space<vmem>>[vector<16xi32>], vector<16xf32>,
        %add3A_263 = arith.addi %mul3A_211, %get3A_170 : vector<16xi32>
        %gather3A_264 = tpu.vector_load_idx %arg8[%add3A_263] : memref<64512xf32, #tpu.memory_space<vmem>>[vector<16xi32>], vector<16xf32>,
        %add3A_265 = arith.addi %add3A_217, %get3A_170 : vector<16xi32>
        %gather3A_266 = tpu.vector_load_idx %arg8[%add3A_265] : memref<64512xf32, #tpu.memory_space<vmem>>[vector<16xi32>], vector<16xf32>,
        %add3A_267 = arith.addi %add3A_223, %get3A_170 : vector<16xi32>
        %gather3A_268 = tpu.vector_load_idx %arg8[%add3A_267] : memref<64512xf32, #tpu.memory_space<vmem>>[vector<16xi32>], vector<16xf32>,
        %add3A_269 = arith.addi %mul3A_211, %get3A_172 : vector<16xi32>
        %gather3A_270 = tpu.vector_load_idx %arg8[%add3A_269] : memref<64512xf32, #tpu.memory_space<vmem>>[vector<16xi32>], vector<16xf32>,
        %add3A_271 = arith.addi %add3A_217, %get3A_172 : vector<16xi32>
        %gather3A_272 = tpu.vector_load_idx %arg8[%add3A_271] : memref<64512xf32, #tpu.memory_space<vmem>>[vector<16xi32>], vector<16xf32>,
        %add3A_273 = arith.addi %add3A_223, %get3A_172 : vector<16xi32>
        %gather3A_274 = tpu.vector_load_idx %arg8[%add3A_273] : memref<64512xf32, #tpu.memory_space<vmem>>[vector<16xi32>], vector<16xf32>,
        %add3A_275 = arith.addi %add3A_227, %get3A_160 : vector<16xi32>
        tpu.vector_store_idx %arg17[%add3A_275], %gather3A : memref<25600xf32, #tpu.memory_space<vmem>>[vector<16xi32>], vector<16xf32>,
        %add3A_276 = arith.addi %add3A_230, %get3A_160 : vector<16xi32>
        tpu.vector_store_idx %arg17[%add3A_276], %gather3A_236 : memref<25600xf32, #tpu.memory_space<vmem>>[vector<16xi32>], vector<16xf32>,
        %add3A_277 = arith.addi %add3A_233, %get3A_160 : vector<16xi32>
        tpu.vector_store_idx %arg17[%add3A_277], %gather3A_238 : memref<25600xf32, #tpu.memory_space<vmem>>[vector<16xi32>], vector<16xf32>,
        %add3A_278 = arith.addi %add3A_227, %get3A_162 : vector<16xi32>
        tpu.vector_store_idx %arg17[%add3A_278], %gather3A_240 : memref<25600xf32, #tpu.memory_space<vmem>>[vector<16xi32>], vector<16xf32>,
        %add3A_279 = arith.addi %add3A_230, %get3A_162 : vector<16xi32>
        tpu.vector_store_idx %arg17[%add3A_279], %gather3A_242 : memref<25600xf32, #tpu.memory_space<vmem>>[vector<16xi32>], vector<16xf32>,
        %add3A_280 = arith.addi %add3A_233, %get3A_162 : vector<16xi32>
        tpu.vector_store_idx %arg17[%add3A_280], %gather3A_244 : memref<25600xf32, #tpu.memory_space<vmem>>[vector<16xi32>], vector<16xf32>,
        %add3A_281 = arith.addi %add3A_227, %get3A_164 : vector<16xi32>
        tpu.vector_store_idx %arg17[%add3A_281], %gather3A_246 : memref<25600xf32, #tpu.memory_space<vmem>>[vector<16xi32>], vector<16xf32>,
        %add3A_282 = arith.addi %add3A_230, %get3A_164 : vector<16xi32>
        tpu.vector_store_idx %arg17[%add3A_282], %gather3A_248 : memref<25600xf32, #tpu.memory_space<vmem>>[vector<16xi32>], vector<16xf32>,
        %add3A_283 = arith.addi %add3A_233, %get3A_164 : vector<16xi32>
        tpu.vector_store_idx %arg17[%add3A_283], %gather3A_250 : memref<25600xf32, #tpu.memory_space<vmem>>[vector<16xi32>], vector<16xf32>,
        %add3A_284 = arith.addi %add3A_227, %get3A_166 : vector<16xi32>
        tpu.vector_store_idx %arg17[%add3A_284], %gather3A_252 : memref<25600xf32, #tpu.memory_space<vmem>>[vector<16xi32>], vector<16xf32>,
        %add3A_285 = arith.addi %add3A_230, %get3A_166 : vector<16xi32>
        tpu.vector_store_idx %arg17[%add3A_285], %gather3A_254 : memref<25600xf32, #tpu.memory_space<vmem>>[vector<16xi32>], vector<16xf32>,
        %add3A_286 = arith.addi %add3A_233, %get3A_166 : vector<16xi32>
        tpu.vector_store_idx %arg17[%add3A_286], %gather3A_256 : memref<25600xf32, #tpu.memory_space<vmem>>[vector<16xi32>], vector<16xf32>,
        %add3A_287 = arith.addi %add3A_227, %get3A_168 : vector<16xi32>
        tpu.vector_store_idx %arg17[%add3A_287], %gather3A_258 : memref<25600xf32, #tpu.memory_space<vmem>>[vector<16xi32>], vector<16xf32>,
        %add3A_288 = arith.addi %add3A_230, %get3A_168 : vector<16xi32>
        tpu.vector_store_idx %arg17[%add3A_288], %gather3A_260 : memref<25600xf32, #tpu.memory_space<vmem>>[vector<16xi32>], vector<16xf32>,
        %add3A_289 = arith.addi %add3A_233, %get3A_168 : vector<16xi32>
        tpu.vector_store_idx %arg17[%add3A_289], %gather3A_262 : memref<25600xf32, #tpu.memory_space<vmem>>[vector<16xi32>], vector<16xf32>,
        %add3A_290 = arith.addi %add3A_227, %get3A_170 : vector<16xi32>
        tpu.vector_store_idx %arg17[%add3A_290], %gather3A_264 : memref<25600xf32, #tpu.memory_space<vmem>>[vector<16xi32>], vector<16xf32>,
        %add3A_291 = arith.addi %add3A_230, %get3A_170 : vector<16xi32>
        tpu.vector_store_idx %arg17[%add3A_291], %gather3A_266 : memref<25600xf32, #tpu.memory_space<vmem>>[vector<16xi32>], vector<16xf32>,
        %add3A_292 = arith.addi %add3A_233, %get3A_170 : vector<16xi32>
        tpu.vector_store_idx %arg17[%add3A_292], %gather3A_268 : memref<25600xf32, #tpu.memory_space<vmem>>[vector<16xi32>], vector<16xf32>,
        %add3A_293 = arith.addi %add3A_227, %get3A_172 : vector<16xi32>
        tpu.vector_store_idx %arg17[%add3A_293], %gather3A_270 : memref<25600xf32, #tpu.memory_space<vmem>>[vector<16xi32>], vector<16xf32>,
        %add3A_294 = arith.addi %add3A_230, %get3A_172 : vector<16xi32>
        tpu.vector_store_idx %arg17[%add3A_294], %gather3A_272 : memref<25600xf32, #tpu.memory_space<vmem>>[vector<16xi32>], vector<16xf32>,
        %add3A_295 = arith.addi %add3A_233, %get3A_172 : vector<16xi32>
        tpu.vector_store_idx %arg17[%add3A_295], %gather3A_274 : memref<25600xf32, #tpu.memory_space<vmem>>[vector<16xi32>], vector<16xf32>,
        %add3A_296 = arith.addi %mul3A_211, %get3A_174 : vector<16xi32>
        %gather3A_297 = tpu.vector_load_idx %arg8[%add3A_296] : memref<64512xf32, #tpu.memory_space<vmem>>[vector<16xi32>], vector<16xf32>,
        %add3A_298 = arith.addi %add3A_217, %get3A_174 : vector<16xi32>
        %gather3A_299 = tpu.vector_load_idx %arg8[%add3A_298] : memref<64512xf32, #tpu.memory_space<vmem>>[vector<16xi32>], vector<16xf32>,
        %add3A_300 = arith.addi %add3A_223, %get3A_174 : vector<16xi32>
        %gather3A_301 = tpu.vector_load_idx %arg8[%add3A_300] : memref<64512xf32, #tpu.memory_space<vmem>>[vector<16xi32>], vector<16xf32>,
        %add3A_302 = arith.addi %mul3A_211, %get3A_176 : vector<16xi32>
        %gather3A_303 = tpu.vector_load_idx %arg8[%add3A_302] : memref<64512xf32, #tpu.memory_space<vmem>>[vector<16xi32>], vector<16xf32>,
        %add3A_304 = arith.addi %add3A_217, %get3A_176 : vector<16xi32>
        %gather3A_305 = tpu.vector_load_idx %arg8[%add3A_304] : memref<64512xf32, #tpu.memory_space<vmem>>[vector<16xi32>], vector<16xf32>,
        %add3A_306 = arith.addi %add3A_223, %get3A_176 : vector<16xi32>
        %gather3A_307 = tpu.vector_load_idx %arg8[%add3A_306] : memref<64512xf32, #tpu.memory_space<vmem>>[vector<16xi32>], vector<16xf32>,
        %add3A_308 = arith.addi %mul3A_211, %get3A_178 : vector<16xi32>
        %gather3A_309 = tpu.vector_load_idx %arg8[%add3A_308] : memref<64512xf32, #tpu.memory_space<vmem>>[vector<16xi32>], vector<16xf32>,
        %add3A_310 = arith.addi %add3A_217, %get3A_178 : vector<16xi32>
        %gather3A_311 = tpu.vector_load_idx %arg8[%add3A_310] : memref<64512xf32, #tpu.memory_space<vmem>>[vector<16xi32>], vector<16xf32>,
        %add3A_312 = arith.addi %add3A_223, %get3A_178 : vector<16xi32>
        %gather3A_313 = tpu.vector_load_idx %arg8[%add3A_312] : memref<64512xf32, #tpu.memory_space<vmem>>[vector<16xi32>], vector<16xf32>,
        %add3A_314 = arith.addi %mul3A_211, %get3A_180 : vector<16xi32>
        %gather3A_315 = tpu.vector_load_idx %arg8[%add3A_314] : memref<64512xf32, #tpu.memory_space<vmem>>[vector<16xi32>], vector<16xf32>,
        %add3A_316 = arith.addi %add3A_217, %get3A_180 : vector<16xi32>
        %gather3A_317 = tpu.vector_load_idx %arg8[%add3A_316] : memref<64512xf32, #tpu.memory_space<vmem>>[vector<16xi32>], vector<16xf32>,
        %add3A_318 = arith.addi %add3A_223, %get3A_180 : vector<16xi32>
        %gather3A_319 = tpu.vector_load_idx %arg8[%add3A_318] : memref<64512xf32, #tpu.memory_space<vmem>>[vector<16xi32>], vector<16xf32>,
        %add3A_320 = arith.addi %mul3A_211, %get3A_182 : vector<16xi32>
        %gather3A_321 = tpu.vector_load_idx %arg8[%add3A_320] : memref<64512xf32, #tpu.memory_space<vmem>>[vector<16xi32>], vector<16xf32>,
        %add3A_322 = arith.addi %add3A_217, %get3A_182 : vector<16xi32>
        %gather3A_323 = tpu.vector_load_idx %arg8[%add3A_322] : memref<64512xf32, #tpu.memory_space<vmem>>[vector<16xi32>], vector<16xf32>,
        %add3A_324 = arith.addi %add3A_223, %get3A_182 : vector<16xi32>
        %gather3A_325 = tpu.vector_load_idx %arg8[%add3A_324] : memref<64512xf32, #tpu.memory_space<vmem>>[vector<16xi32>], vector<16xf32>,
        %add3A_326 = arith.addi %mul3A_211, %get3A_184 : vector<16xi32>
        %gather3A_327 = tpu.vector_load_idx %arg8[%add3A_326] : memref<64512xf32, #tpu.memory_space<vmem>>[vector<16xi32>], vector<16xf32>,
        %add3A_328 = arith.addi %add3A_217, %get3A_184 : vector<16xi32>
        %gather3A_329 = tpu.vector_load_idx %arg8[%add3A_328] : memref<64512xf32, #tpu.memory_space<vmem>>[vector<16xi32>], vector<16xf32>,
        %add3A_330 = arith.addi %add3A_223, %get3A_184 : vector<16xi32>
        %gather3A_331 = tpu.vector_load_idx %arg8[%add3A_330] : memref<64512xf32, #tpu.memory_space<vmem>>[vector<16xi32>], vector<16xf32>,
        %add3A_332 = arith.addi %mul3A_211, %get3A_186 : vector<16xi32>
        %gather3A_333 = tpu.vector_load_idx %arg8[%add3A_332] : memref<64512xf32, #tpu.memory_space<vmem>>[vector<16xi32>], vector<16xf32>,
        %add3A_334 = arith.addi %add3A_217, %get3A_186 : vector<16xi32>
        %gather3A_335 = tpu.vector_load_idx %arg8[%add3A_334] : memref<64512xf32, #tpu.memory_space<vmem>>[vector<16xi32>], vector<16xf32>,
        %add3A_336 = arith.addi %add3A_223, %get3A_186 : vector<16xi32>
        %gather3A_337 = tpu.vector_load_idx %arg8[%add3A_336] : memref<64512xf32, #tpu.memory_space<vmem>>[vector<16xi32>], vector<16xf32>,
        %add3A_338 = arith.addi %add3A_227, %get3A_174 : vector<16xi32>
        tpu.vector_store_idx %arg17[%add3A_338], %gather3A_297 : memref<25600xf32, #tpu.memory_space<vmem>>[vector<16xi32>], vector<16xf32>,
        %add3A_339 = arith.addi %add3A_230, %get3A_174 : vector<16xi32>
        tpu.vector_store_idx %arg17[%add3A_339], %gather3A_299 : memref<25600xf32, #tpu.memory_space<vmem>>[vector<16xi32>], vector<16xf32>,
        %add3A_340 = arith.addi %add3A_233, %get3A_174 : vector<16xi32>
        tpu.vector_store_idx %arg17[%add3A_340], %gather3A_301 : memref<25600xf32, #tpu.memory_space<vmem>>[vector<16xi32>], vector<16xf32>,
        %add3A_341 = arith.addi %add3A_227, %get3A_176 : vector<16xi32>
        tpu.vector_store_idx %arg17[%add3A_341], %gather3A_303 : memref<25600xf32, #tpu.memory_space<vmem>>[vector<16xi32>], vector<16xf32>,
        %add3A_342 = arith.addi %add3A_230, %get3A_176 : vector<16xi32>
        tpu.vector_store_idx %arg17[%add3A_342], %gather3A_305 : memref<25600xf32, #tpu.memory_space<vmem>>[vector<16xi32>], vector<16xf32>,
        %add3A_343 = arith.addi %add3A_233, %get3A_176 : vector<16xi32>
        tpu.vector_store_idx %arg17[%add3A_343], %gather3A_307 : memref<25600xf32, #tpu.memory_space<vmem>>[vector<16xi32>], vector<16xf32>,
        %add3A_344 = arith.addi %add3A_227, %get3A_178 : vector<16xi32>
        tpu.vector_store_idx %arg17[%add3A_344], %gather3A_309 : memref<25600xf32, #tpu.memory_space<vmem>>[vector<16xi32>], vector<16xf32>,
        %add3A_345 = arith.addi %add3A_230, %get3A_178 : vector<16xi32>
        tpu.vector_store_idx %arg17[%add3A_345], %gather3A_311 : memref<25600xf32, #tpu.memory_space<vmem>>[vector<16xi32>], vector<16xf32>,
        %add3A_346 = arith.addi %add3A_233, %get3A_178 : vector<16xi32>
        tpu.vector_store_idx %arg17[%add3A_346], %gather3A_313 : memref<25600xf32, #tpu.memory_space<vmem>>[vector<16xi32>], vector<16xf32>,
        %add3A_347 = arith.addi %add3A_227, %get3A_180 : vector<16xi32>
        tpu.vector_store_idx %arg17[%add3A_347], %gather3A_315 : memref<25600xf32, #tpu.memory_space<vmem>>[vector<16xi32>], vector<16xf32>,
        %add3A_348 = arith.addi %add3A_230, %get3A_180 : vector<16xi32>
        tpu.vector_store_idx %arg17[%add3A_348], %gather3A_317 : memref<25600xf32, #tpu.memory_space<vmem>>[vector<16xi32>], vector<16xf32>,
        %add3A_349 = arith.addi %add3A_233, %get3A_180 : vector<16xi32>
        tpu.vector_store_idx %arg17[%add3A_349], %gather3A_319 : memref<25600xf32, #tpu.memory_space<vmem>>[vector<16xi32>], vector<16xf32>,
        %add3A_350 = arith.addi %add3A_227, %get3A_182 : vector<16xi32>
        tpu.vector_store_idx %arg17[%add3A_350], %gather3A_321 : memref<25600xf32, #tpu.memory_space<vmem>>[vector<16xi32>], vector<16xf32>,
        %add3A_351 = arith.addi %add3A_230, %get3A_182 : vector<16xi32>
        tpu.vector_store_idx %arg17[%add3A_351], %gather3A_323 : memref<25600xf32, #tpu.memory_space<vmem>>[vector<16xi32>], vector<16xf32>,
        %add3A_352 = arith.addi %add3A_233, %get3A_182 : vector<16xi32>
        tpu.vector_store_idx %arg17[%add3A_352], %gather3A_325 : memref<25600xf32, #tpu.memory_space<vmem>>[vector<16xi32>], vector<16xf32>,
        %add3A_353 = arith.addi %add3A_227, %get3A_184 : vector<16xi32>
        tpu.vector_store_idx %arg17[%add3A_353], %gather3A_327 : memref<25600xf32, #tpu.memory_space<vmem>>[vector<16xi32>], vector<16xf32>,
        %add3A_354 = arith.addi %add3A_230, %get3A_184 : vector<16xi32>
        tpu.vector_store_idx %arg17[%add3A_354], %gather3A_329 : memref<25600xf32, #tpu.memory_space<vmem>>[vector<16xi32>], vector<16xf32>,
        %add3A_355 = arith.addi %add3A_233, %get3A_184 : vector<16xi32>
        tpu.vector_store_idx %arg17[%add3A_355], %gather3A_331 : memref<25600xf32, #tpu.memory_space<vmem>>[vector<16xi32>], vector<16xf32>,
        %add3A_356 = arith.addi %add3A_227, %get3A_186 : vector<16xi32>
        tpu.vector_store_idx %arg17[%add3A_356], %gather3A_333 : memref<25600xf32, #tpu.memory_space<vmem>>[vector<16xi32>], vector<16xf32>,
        %add3A_357 = arith.addi %add3A_230, %get3A_186 : vector<16xi32>
        tpu.vector_store_idx %arg17[%add3A_357], %gather3A_335 : memref<25600xf32, #tpu.memory_space<vmem>>[vector<16xi32>], vector<16xf32>,
        %add3A_358 = arith.addi %add3A_233, %get3A_186 : vector<16xi32>
        tpu.vector_store_idx %arg17[%add3A_358], %gather3A_337 : memref<25600xf32, #tpu.memory_space<vmem>>[vector<16xi32>], vector<16xf32>,
        %add3A_359 = arith.addi %mul3A_211, %get3A_188 : vector<16xi32>
        %gather3A_360 = tpu.vector_load_idx %arg8[%add3A_359] : memref<64512xf32, #tpu.memory_space<vmem>>[vector<16xi32>], vector<16xf32>,
        %add3A_361 = arith.addi %add3A_217, %get3A_188 : vector<16xi32>
        %gather3A_362 = tpu.vector_load_idx %arg8[%add3A_361] : memref<64512xf32, #tpu.memory_space<vmem>>[vector<16xi32>], vector<16xf32>,
        %add3A_363 = arith.addi %add3A_223, %get3A_188 : vector<16xi32>
        %gather3A_364 = tpu.vector_load_idx %arg8[%add3A_363] : memref<64512xf32, #tpu.memory_space<vmem>>[vector<16xi32>], vector<16xf32>,
        %add3A_365 = arith.addi %mul3A_211, %get3A_190 : vector<16xi32>
        %gather3A_366 = tpu.vector_load_idx %arg8[%add3A_365] : memref<64512xf32, #tpu.memory_space<vmem>>[vector<16xi32>], vector<16xf32>,
        %add3A_367 = arith.addi %add3A_217, %get3A_190 : vector<16xi32>
        %gather3A_368 = tpu.vector_load_idx %arg8[%add3A_367] : memref<64512xf32, #tpu.memory_space<vmem>>[vector<16xi32>], vector<16xf32>,
        %add3A_369 = arith.addi %add3A_223, %get3A_190 : vector<16xi32>
        %gather3A_370 = tpu.vector_load_idx %arg8[%add3A_369] : memref<64512xf32, #tpu.memory_space<vmem>>[vector<16xi32>], vector<16xf32>,
        %add3A_371 = arith.addi %mul3A_211, %get3A_192 : vector<16xi32>
        %gather3A_372 = tpu.vector_load_idx %arg8[%add3A_371] : memref<64512xf32, #tpu.memory_space<vmem>>[vector<16xi32>], vector<16xf32>,
        %add3A_373 = arith.addi %add3A_217, %get3A_192 : vector<16xi32>
        %gather3A_374 = tpu.vector_load_idx %arg8[%add3A_373] : memref<64512xf32, #tpu.memory_space<vmem>>[vector<16xi32>], vector<16xf32>,
        %add3A_375 = arith.addi %add3A_223, %get3A_192 : vector<16xi32>
        %gather3A_376 = tpu.vector_load_idx %arg8[%add3A_375] : memref<64512xf32, #tpu.memory_space<vmem>>[vector<16xi32>], vector<16xf32>,
        %add3A_377 = arith.addi %mul3A_211, %get3A_194 : vector<16xi32>
        %gather3A_378 = tpu.vector_load_idx %arg8[%add3A_377] : memref<64512xf32, #tpu.memory_space<vmem>>[vector<16xi32>], vector<16xf32>,
        %add3A_379 = arith.addi %add3A_217, %get3A_194 : vector<16xi32>
        %gather3A_380 = tpu.vector_load_idx %arg8[%add3A_379] : memref<64512xf32, #tpu.memory_space<vmem>>[vector<16xi32>], vector<16xf32>,
        %add3A_381 = arith.addi %add3A_223, %get3A_194 : vector<16xi32>
        %gather3A_382 = tpu.vector_load_idx %arg8[%add3A_381] : memref<64512xf32, #tpu.memory_space<vmem>>[vector<16xi32>], vector<16xf32>,
        %add3A_383 = arith.addi %mul3A_211, %get3A_196 : vector<16xi32>
        %gather3A_384 = tpu.vector_load_idx %arg8[%add3A_383] : memref<64512xf32, #tpu.memory_space<vmem>>[vector<16xi32>], vector<16xf32>,
        %add3A_385 = arith.addi %add3A_217, %get3A_196 : vector<16xi32>
        %gather3A_386 = tpu.vector_load_idx %arg8[%add3A_385] : memref<64512xf32, #tpu.memory_space<vmem>>[vector<16xi32>], vector<16xf32>,
        %add3A_387 = arith.addi %add3A_223, %get3A_196 : vector<16xi32>
        %gather3A_388 = tpu.vector_load_idx %arg8[%add3A_387] : memref<64512xf32, #tpu.memory_space<vmem>>[vector<16xi32>], vector<16xf32>,
        %add3A_389 = arith.addi %mul3A_211, %get3A_198 : vector<16xi32>
        %gather3A_390 = tpu.vector_load_idx %arg8[%add3A_389] : memref<64512xf32, #tpu.memory_space<vmem>>[vector<16xi32>], vector<16xf32>,
        %add3A_391 = arith.addi %add3A_217, %get3A_198 : vector<16xi32>
        %gather3A_392 = tpu.vector_load_idx %arg8[%add3A_391] : memref<64512xf32, #tpu.memory_space<vmem>>[vector<16xi32>], vector<16xf32>,
        %add3A_393 = arith.addi %add3A_223, %get3A_198 : vector<16xi32>
        %gather3A_394 = tpu.vector_load_idx %arg8[%add3A_393] : memref<64512xf32, #tpu.memory_space<vmem>>[vector<16xi32>], vector<16xf32>,
        %add3A_395 = arith.addi %mul3A_211, %get3A_200 : vector<16xi32>
        %gather3A_396 = tpu.vector_load_idx %arg8[%add3A_395] : memref<64512xf32, #tpu.memory_space<vmem>>[vector<16xi32>], vector<16xf32>,
        %add3A_397 = arith.addi %add3A_217, %get3A_200 : vector<16xi32>
        %gather3A_398 = tpu.vector_load_idx %arg8[%add3A_397] : memref<64512xf32, #tpu.memory_space<vmem>>[vector<16xi32>], vector<16xf32>,
        %add3A_399 = arith.addi %add3A_223, %get3A_200 : vector<16xi32>
        %gather3A_400 = tpu.vector_load_idx %arg8[%add3A_399] : memref<64512xf32, #tpu.memory_space<vmem>>[vector<16xi32>], vector<16xf32>,
        %add3A_401 = arith.addi %add3A_227, %get3A_188 : vector<16xi32>
        tpu.vector_store_idx %arg17[%add3A_401], %gather3A_360 : memref<25600xf32, #tpu.memory_space<vmem>>[vector<16xi32>], vector<16xf32>,
        %add3A_402 = arith.addi %add3A_230, %get3A_188 : vector<16xi32>
        tpu.vector_store_idx %arg17[%add3A_402], %gather3A_362 : memref<25600xf32, #tpu.memory_space<vmem>>[vector<16xi32>], vector<16xf32>,
        %add3A_403 = arith.addi %add3A_233, %get3A_188 : vector<16xi32>
        tpu.vector_store_idx %arg17[%add3A_403], %gather3A_364 : memref<25600xf32, #tpu.memory_space<vmem>>[vector<16xi32>], vector<16xf32>,
        %add3A_404 = arith.addi %add3A_227, %get3A_190 : vector<16xi32>
        tpu.vector_store_idx %arg17[%add3A_404], %gather3A_366 : memref<25600xf32, #tpu.memory_space<vmem>>[vector<16xi32>], vector<16xf32>,
        %add3A_405 = arith.addi %add3A_230, %get3A_190 : vector<16xi32>
        tpu.vector_store_idx %arg17[%add3A_405], %gather3A_368 : memref<25600xf32, #tpu.memory_space<vmem>>[vector<16xi32>], vector<16xf32>,
        %add3A_406 = arith.addi %add3A_233, %get3A_190 : vector<16xi32>
        tpu.vector_store_idx %arg17[%add3A_406], %gather3A_370 : memref<25600xf32, #tpu.memory_space<vmem>>[vector<16xi32>], vector<16xf32>,
        %add3A_407 = arith.addi %add3A_227, %get3A_192 : vector<16xi32>
        tpu.vector_store_idx %arg17[%add3A_407], %gather3A_372 : memref<25600xf32, #tpu.memory_space<vmem>>[vector<16xi32>], vector<16xf32>,
        %add3A_408 = arith.addi %add3A_230, %get3A_192 : vector<16xi32>
        tpu.vector_store_idx %arg17[%add3A_408], %gather3A_374 : memref<25600xf32, #tpu.memory_space<vmem>>[vector<16xi32>], vector<16xf32>,
        %add3A_409 = arith.addi %add3A_233, %get3A_192 : vector<16xi32>
        tpu.vector_store_idx %arg17[%add3A_409], %gather3A_376 : memref<25600xf32, #tpu.memory_space<vmem>>[vector<16xi32>], vector<16xf32>,
        %add3A_410 = arith.addi %add3A_227, %get3A_194 : vector<16xi32>
        tpu.vector_store_idx %arg17[%add3A_410], %gather3A_378 : memref<25600xf32, #tpu.memory_space<vmem>>[vector<16xi32>], vector<16xf32>,
        %add3A_411 = arith.addi %add3A_230, %get3A_194 : vector<16xi32>
        tpu.vector_store_idx %arg17[%add3A_411], %gather3A_380 : memref<25600xf32, #tpu.memory_space<vmem>>[vector<16xi32>], vector<16xf32>,
        %add3A_412 = arith.addi %add3A_233, %get3A_194 : vector<16xi32>
        tpu.vector_store_idx %arg17[%add3A_412], %gather3A_382 : memref<25600xf32, #tpu.memory_space<vmem>>[vector<16xi32>], vector<16xf32>,
        %add3A_413 = arith.addi %add3A_227, %get3A_196 : vector<16xi32>
        tpu.vector_store_idx %arg17[%add3A_413], %gather3A_384 : memref<25600xf32, #tpu.memory_space<vmem>>[vector<16xi32>], vector<16xf32>,
        %add3A_414 = arith.addi %add3A_230, %get3A_196 : vector<16xi32>
        tpu.vector_store_idx %arg17[%add3A_414], %gather3A_386 : memref<25600xf32, #tpu.memory_space<vmem>>[vector<16xi32>], vector<16xf32>,
        %add3A_415 = arith.addi %add3A_233, %get3A_196 : vector<16xi32>
        tpu.vector_store_idx %arg17[%add3A_415], %gather3A_388 : memref<25600xf32, #tpu.memory_space<vmem>>[vector<16xi32>], vector<16xf32>,
        %add3A_416 = arith.addi %add3A_227, %get3A_198 : vector<16xi32>
        tpu.vector_store_idx %arg17[%add3A_416], %gather3A_390 : memref<25600xf32, #tpu.memory_space<vmem>>[vector<16xi32>], vector<16xf32>,
        %add3A_417 = arith.addi %add3A_230, %get3A_198 : vector<16xi32>
        tpu.vector_store_idx %arg17[%add3A_417], %gather3A_392 : memref<25600xf32, #tpu.memory_space<vmem>>[vector<16xi32>], vector<16xf32>,
        %add3A_418 = arith.addi %add3A_233, %get3A_198 : vector<16xi32>
        tpu.vector_store_idx %arg17[%add3A_418], %gather3A_394 : memref<25600xf32, #tpu.memory_space<vmem>>[vector<16xi32>], vector<16xf32>,
        %add3A_419 = arith.addi %add3A_227, %get3A_200 : vector<16xi32>
        tpu.vector_store_idx %arg17[%add3A_419], %gather3A_396 : memref<25600xf32, #tpu.memory_space<vmem>>[vector<16xi32>], vector<16xf32>,
        %add3A_420 = arith.addi %add3A_230, %get3A_200 : vector<16xi32>
        tpu.vector_store_idx %arg17[%add3A_420], %gather3A_398 : memref<25600xf32, #tpu.memory_space<vmem>>[vector<16xi32>], vector<16xf32>,
        %add3A_421 = arith.addi %add3A_233, %get3A_200 : vector<16xi32>
        tpu.vector_store_idx %arg17[%add3A_421], %gather3A_400 : memref<25600xf32, #tpu.memory_space<vmem>>[vector<16xi32>], vector<16xf32>,
        %add3A_422 = arith.constant 63 : i32
        %add3A_423 = vector.broadcast %add3A_422 : i32 to vector<16xi32>
        %add3A_424 = arith.addi %add3A_227, %add3A_423 : vector<16xi32>
        tpu.vector_store_idx %arg17[%add3A_424], %broadcast_in_dim3A_6 : memref<25600xf32, #tpu.memory_space<vmem>>[vector<16xi32>], vector<16xf32>,
      }
      %scan3A_141 = arith.constant 25 : i32
      %mul3A_142 = arith.constant 400 : i32
      %mul3A_143 = arith.muli %add3A_109, %mul3A_142 : i32
      %add3A_144 = arith.addi %mul3A_2, %mul3A_143 : i32
      %mul3A_145 = arith.constant 64 : i32
      %mul3A_146 = arith.muli %add3A_144, %mul3A_145 : i32
      %dma_start3A_147 = arith.constant 1 : i32
      %dma_start3A_148 = tpu.memref_slice %arg7[%mul3A_146] : memref<52428800xf32, #tpu.memory_space<hbm>> -> memref<25600xf32, #tpu.memory_space<hbm>>
      %dma_start3A_149 = tpu.memref_slice %arg19[%dma_start3A_147] : memref<2x!tpu.dma_semaphore, #tpu.memory_space<semaphore_mem>> -> memref<1x!tpu.dma_semaphore, #tpu.memory_space<semaphore_mem>>
      %dma_start3A_150 = tpu.memref_squeeze %dma_start3A_149 : memref<1x!tpu.dma_semaphore, #tpu.memory_space<semaphore_mem>> -> memref<!tpu.dma_semaphore, #tpu.memory_space<semaphore_mem>>
      %dma_start3A_151 = tpu.memref_slice %arg7[%mul3A_146] : memref<52428800xf32, #tpu.memory_space<hbm>> -> memref<25600xf32, #tpu.memory_space<hbm>>
      tpu.enqueue_dma source(%arg17 : memref<25600xf32, #tpu.memory_space<vmem>>) target(%dma_start3A_151 : memref<25600xf32, #tpu.memory_space<hbm>>) target_semaphore(%dma_start3A_150 : memref<!tpu.dma_semaphore, #tpu.memory_space<semaphore_mem>>)
      %add3A_152 = arith.constant 2 : i32
      %add3A_153 = arith.addi %add3A_109, %add3A_152 : i32
      %lt3A_154 = arith.constant 64 : i32
      %lt3A_155 = arith.cmpi slt, %add3A_153, %lt3A_154 : i32
      %convert_element_type3A_156 = arith.extui %lt3A_155 : i1 to i32
      %cond3A_157 = arith.constant 0 : i32
      %cond3A_158 = arith.cmpi ne, %convert_element_type3A_156, %cond3A_157 : i32
      scf.if %cond3A_158 {
        %add3A_159 = arith.constant 2 : i32
        %add3A_160 = arith.addi %add3A_109, %add3A_159 : i32
        %mul3A_161 = arith.constant 400 : i32
        %mul3A_162 = arith.muli %add3A_160, %mul3A_161 : i32
        %add3A_163 = arith.addi %mul3A_2, %mul3A_162 : i32
        %dma_start3A_164 = arith.constant 1 : i32
        %dma_start3A_165 = tpu.memref_slice %arg4[%add3A_163] : memref<819200xi32, #tpu.memory_space<hbm>> -> memref<400xi32, #tpu.memory_space<hbm>>
        %dma_start3A_166 = tpu.memref_slice %arg18[%dma_start3A_164] : memref<2x!tpu.dma_semaphore, #tpu.memory_space<semaphore_mem>> -> memref<1x!tpu.dma_semaphore, #tpu.memory_space<semaphore_mem>>
        %dma_start3A_167 = tpu.memref_squeeze %dma_start3A_166 : memref<1x!tpu.dma_semaphore, #tpu.memory_space<semaphore_mem>> -> memref<!tpu.dma_semaphore, #tpu.memory_space<semaphore_mem>>
        %dma_start3A_168 = tpu.memref_slice %arg4[%add3A_163] : memref<819200xi32, #tpu.memory_space<hbm>> -> memref<400xi32, #tpu.memory_space<hbm>>
        tpu.enqueue_dma source(%dma_start3A_168 : memref<400xi32, #tpu.memory_space<hbm>>) target(%arg13 : memref<400xi32, #tpu.memory_space<vmem>>) target_semaphore(%dma_start3A_167 : memref<!tpu.dma_semaphore, #tpu.memory_space<semaphore_mem>>)
        %dma_start3A_169 = arith.constant 1 : i32
        %dma_start3A_170 = tpu.memref_slice %arg5[%add3A_163] : memref<819200xi32, #tpu.memory_space<hbm>> -> memref<400xi32, #tpu.memory_space<hbm>>
        %dma_start3A_171 = tpu.memref_slice %arg18[%dma_start3A_169] : memref<2x!tpu.dma_semaphore, #tpu.memory_space<semaphore_mem>> -> memref<1x!tpu.dma_semaphore, #tpu.memory_space<semaphore_mem>>
        %dma_start3A_172 = tpu.memref_squeeze %dma_start3A_171 : memref<1x!tpu.dma_semaphore, #tpu.memory_space<semaphore_mem>> -> memref<!tpu.dma_semaphore, #tpu.memory_space<semaphore_mem>>
        %dma_start3A_173 = tpu.memref_slice %arg5[%add3A_163] : memref<819200xi32, #tpu.memory_space<hbm>> -> memref<400xi32, #tpu.memory_space<hbm>>
        tpu.enqueue_dma source(%dma_start3A_173 : memref<400xi32, #tpu.memory_space<hbm>>) target(%arg14 : memref<400xi32, #tpu.memory_space<vmem>>) target_semaphore(%dma_start3A_172 : memref<!tpu.dma_semaphore, #tpu.memory_space<semaphore_mem>>)
        %dma_start3A_174 = arith.constant 1 : i32
        %dma_start3A_175 = tpu.memref_slice %arg6[%add3A_163] : memref<819200xi32, #tpu.memory_space<hbm>> -> memref<400xi32, #tpu.memory_space<hbm>>
        %dma_start3A_176 = tpu.memref_slice %arg18[%dma_start3A_174] : memref<2x!tpu.dma_semaphore, #tpu.memory_space<semaphore_mem>> -> memref<1x!tpu.dma_semaphore, #tpu.memory_space<semaphore_mem>>
        %dma_start3A_177 = tpu.memref_squeeze %dma_start3A_176 : memref<1x!tpu.dma_semaphore, #tpu.memory_space<semaphore_mem>> -> memref<!tpu.dma_semaphore, #tpu.memory_space<semaphore_mem>>
        %dma_start3A_178 = tpu.memref_slice %arg6[%add3A_163] : memref<819200xi32, #tpu.memory_space<hbm>> -> memref<400xi32, #tpu.memory_space<hbm>>
        tpu.enqueue_dma source(%dma_start3A_178 : memref<400xi32, #tpu.memory_space<hbm>>) target(%arg15 : memref<400xi32, #tpu.memory_space<vmem>>) target_semaphore(%dma_start3A_177 : memref<!tpu.dma_semaphore, #tpu.memory_space<semaphore_mem>>)
      } else {
      }
    }
    %scan3A_44 = arith.constant 32 : i32
    %dma_wait3A = arith.constant 0 : i32
    %dma_wait3A_45 = arith.constant 0 : i32
    %dma_wait3A_46 = tpu.memref_slice %arg7[%dma_wait3A_45] : memref<52428800xf32, #tpu.memory_space<hbm>> -> memref<25600xf32, #tpu.memory_space<hbm>>
    %dma_wait3A_47 = tpu.memref_slice %arg19[%dma_wait3A] : memref<2x!tpu.dma_semaphore, #tpu.memory_space<semaphore_mem>> -> memref<1x!tpu.dma_semaphore, #tpu.memory_space<semaphore_mem>>
    %dma_wait3A_48 = tpu.memref_squeeze %dma_wait3A_47 : memref<1x!tpu.dma_semaphore, #tpu.memory_space<semaphore_mem>> -> memref<!tpu.dma_semaphore, #tpu.memory_space<semaphore_mem>>
    %dma_wait3A_49 = arith.constant 0 : i32
    %dma_wait3A_50 = tpu.memref_slice %arg7[%dma_wait3A_49] : memref<52428800xf32, #tpu.memory_space<hbm>> -> memref<25600xf32, #tpu.memory_space<hbm>>
    tpu.wait_dma2 semaphore(%dma_wait3A_48 : memref<!tpu.dma_semaphore, #tpu.memory_space<semaphore_mem>>) src(%arg16 : memref<25600xf32, #tpu.memory_space<vmem>>) dst(%dma_wait3A_50 : memref<25600xf32, #tpu.memory_space<hbm>>)
    %dma_wait3A_51 = arith.constant 1 : i32
    %dma_wait3A_52 = arith.constant 0 : i32
    %dma_wait3A_53 = tpu.memref_slice %arg7[%dma_wait3A_52] : memref<52428800xf32, #tpu.memory_space<hbm>> -> memref<25600xf32, #tpu.memory_space<hbm>>
    %dma_wait3A_54 = tpu.memref_slice %arg19[%dma_wait3A_51] : memref<2x!tpu.dma_semaphore, #tpu.memory_space<semaphore_mem>> -> memref<1x!tpu.dma_semaphore, #tpu.memory_space<semaphore_mem>>
    %dma_wait3A_55 = tpu.memref_squeeze %dma_wait3A_54 : memref<1x!tpu.dma_semaphore, #tpu.memory_space<semaphore_mem>> -> memref<!tpu.dma_semaphore, #tpu.memory_space<semaphore_mem>>
    %dma_wait3A_56 = arith.constant 0 : i32
    %dma_wait3A_57 = tpu.memref_slice %arg7[%dma_wait3A_56] : memref<52428800xf32, #tpu.memory_space<hbm>> -> memref<25600xf32, #tpu.memory_space<hbm>>
    tpu.wait_dma2 semaphore(%dma_wait3A_55 : memref<!tpu.dma_semaphore, #tpu.memory_space<semaphore_mem>>) src(%arg17 : memref<25600xf32, #tpu.memory_space<vmem>>) dst(%dma_wait3A_57 : memref<25600xf32, #tpu.memory_space<hbm>>)
    return
  }
}

</mosaic_0001>

<sc_bundles>
// kernel: kernel.3.cloned.1.call-start
scs
__scs_entry_jumppad:
0x0: {  	(pc) =	sbr.rel $0x88, $3  }
0x1: {  	(tag) =	ssettag $0x0;
	lr =	simm.s32 $0x1  }
0x2: {  	[smem:$0x3F9D] =	sst lr;
	_ =	strace $0xD0000000  }
0x3: {  	_ = 	snop  }
0x4: {  	_ = 	snop  }
0x5: {  	_ = 	snop  }
0x6: {  	_ = 	snop  }
0x7: {  	_ = 	snop  }
__scs_overlays_trampoline_lowered:
0x8: {  	[smem:$0x3FAC] =	sst s0  }
0x9: {  	[smem:$0x3FAD] =	sst s1  }
0xa: {  	[smem:$0x3FAE] =	sst s2  }
0xb: {  	[smem:$0x3FAF] =	sst s3  }
0xc: {  	[smem:$0x3FB0] =	sst s4  }
0xd: {  	[smem:$0x3FB1] =	sst s5  }
0xe: {  	[smem:$0x3FB2] =	sst s6  }
0xf: {  	[smem:$0x3FB3] =	sst s7  }
0x10: {  	[smem:$0x3FB4] =	sst s8  }
0x11: {  	[smem:$0x3FB5] =	sst s9;
	s0 =	simm.s32 @!p0 $0x0  }
0x12: {  	s1 =	sld [smem:$0x3F9B];
	s0 =	simm.s32 @p0 $0x1  }
0x13: {  	[smem:$0x3FB6] =	sst s0;
	s0 =	simm.s32 @!p1 $0x0  }
0x14: {  	s2 =	sld [smem:$0x3F9A];
	s0 =	simm.s32 @p1 $0x1  }
0x15: {  	[smem:$0x3FB7] =	sst s0;
	s0 =	simm.s32 @!p2 $0x0  }
0x16: {  	s3 =	sld [smem:$0x3FDB];
	s0 =	simm.s32 @p2 $0x1  }
0x17: {  	s4 =	simm.s32 $0x1BF5;
	[smem:$0x3FB9] =	sst s0  }
0x18: {  	s0 =	sld [smem:$0x3F9C];
	_ =	swait.ge [sflag:s4], $0x0  }
0x19: {  	s7 =	sld [smem:$0x3F9D]  }
0x1a: {  	s8 =	sadd.s32 $0xFFFFE003, lr  }
0x1b: {  	s9 =	sadd.s32 $0xFFFFFEF7, lr;
	s5 =	simm.s32 $0xFFFFFFFF;
	p2 =	slt.u32 s8, $0xFFFFF086  }
0x1c: {  	p1 =	slt.u32 s9, $0xF7A;
	s5 =	simm.s32 @!p2 $0x0  }
0x1d: {  	s5 =	simm.s32 @p1 $0x1;
	p0 =	seq.s32 s7, s2  }
0x1e: {  	s7 =	smul.u32 @!p0 $0xF7A, s2;
	p2 =	seq.s32 @!p0 s5, $0x0  }
0x1f: {  	s9 =	smul.u32 $0xF7A, s1;
	s8 =	simm.s32 @!p0 $0x1BF5;
	p2 =	por !p2, p0  }
0x20: {  	[sflag:s8] =	ssyncset.s32 @!p0 $0xFFFFF086;
	s6 =	sadd.s32 @!p0 s3, s7;
	s7 =	simm.s32 @!p0 $0x108  }
0x21: {  	s3 =	sadd.s32 s3, s9;
	s6 =	sadd.s32 @!p0 $0x88, s6;
	s7 =	simm.s32 @p2 $0x1082  }
0x22: {  	[simem:s7], [sflag:s8] =	dma.local @!p0 [hbm:s6], $0xF7A  }
0x23: {  	s9 =	sor.u32 $0xD0000000, s2;
	s6 =	simm.s32 $0x108;
	_ =	swait.ge @!p0 [sflag:s8], $0x0  }
0x24: {  	s3 =	sadd.s32 $0x88, s3;
	s6 =	simm.s32 @!p1 $0x1082;
	[sflag:s4] =	ssyncset.s32 $0xFFFFF086  }
0x25: {  	[simem:s6], [sflag:s4] =	dma.local [hbm:s3], $0xF7A  }
0x26: {  	[smem:$0x3F9D] =	sst s1;
	(tag) =	ssettag s2;
	_ =	strace s9  }
0x27: {  	s1 =	sld [smem:$0x3FAD]  }
0x28: {  	s2 =	sld [smem:$0x3FAE]  }
0x29: {  	s4 =	sld [smem:$0x3FB0]  }
0x2a: {  	p0 =	seq.s32 s5, $0x0;
	s5 =	sld [smem:$0x3FB1]  }
0x2b: {  	s6 =	sld [smem:$0x3FB2]  }
0x2c: {  	s7 =	sld [smem:$0x3FB3]  }
0x2d: {  	s3 =	simm.s32 $0x108;
	s8 =	sld [smem:$0x3FB4]  }
0x2e: {  	s3 =	simm.s32 @!p0 $0x1082;
	s9 =	sld [smem:$0x3FB5]  }
0x2f: {  	lr =	sadd.s32 s0, s3;
	s0 =	sld [smem:$0x3FAC]  }
0x30: {  	s3 =	sld [smem:$0x3FAF]  }
0x31: {  	[smem:$0x3FB8] =	sst s10  }
0x32: {  	s10 =	sld [smem:$0x3FB6];
	_ =	sdelay $0x3  }
0x33: {  	p0 =	seq.s32 s10, $0x1;
	s10 =	sld [smem:$0x3FB8];
	_ =	sdelay $0x3  }
0x34: {  	[smem:$0x3FB8] =	sst s10  }
0x35: {  	s10 =	sld [smem:$0x3FB7];
	_ =	sdelay $0x3  }
0x36: {  	p1 =	seq.s32 s10, $0x1;
	s10 =	sld [smem:$0x3FB8];
	_ =	sdelay $0x3  }
0x37: {  	[smem:$0x3FB8] =	sst s10  }
0x38: {  	s10 =	sld [smem:$0x3FB9]  }
0x39: {  	_ = 	snop;
	(pc) =	sbr.ind lr, $3  }
0x3a: {  	_ = 	snop  }
0x3b: {  	_ = 	snop  }
0x3c: {  	p2 =	seq.s32 s10, $0x1;
	s10 =	sld [smem:$0x3FB8]  }
0x3d: {  	_ =	shalt  }
0x3e: {  	_ =	shalt  }
0x3f: {  	_ =	shalt  }
0x40: {  	_ =	shalt  }
0x41: {  	_ =	shalt  }
0x42: {  	_ =	shalt  }
0x43: {  	_ =	shalt  }
0x44: {  	_ =	shalt  }
0x45: {  	_ =	shalt  }
0x46: {  	_ =	shalt  }
0x47: {  	_ =	shalt  }
0x48: {  	_ =	shalt  }
0x49: {  	_ =	shalt  }
0x4a: {  	_ =	shalt  }
0x4b: {  	_ =	shalt  }
0x4c: {  	_ =	shalt  }
0x4d: {  	_ =	shalt  }
0x4e: {  	_ =	shalt  }
0x4f: {  	_ =	shalt  }
0x50: {  	_ =	shalt  }
0x51: {  	_ =	shalt  }
0x52: {  	_ =	shalt  }
0x53: {  	_ =	shalt  }
0x54: {  	_ =	shalt  }
0x55: {  	_ =	shalt  }
0x56: {  	_ =	shalt  }
0x57: {  	_ =	shalt  }
0x58: {  	_ =	shalt  }
0x59: {  	_ =	shalt  }
0x5a: {  	_ =	shalt  }
0x5b: {  	_ =	shalt  }
0x5c: {  	_ =	shalt  }
0x5d: {  	_ =	shalt  }
0x5e: {  	_ =	shalt  }
0x5f: {  	_ =	shalt  }
0x60: {  	_ =	shalt  }
0x61: {  	_ =	shalt  }
0x62: {  	_ =	shalt  }
0x63: {  	_ =	shalt  }
0x64: {  	_ =	shalt  }
0x65: {  	_ =	shalt  }
0x66: {  	_ =	shalt  }
0x67: {  	_ =	shalt  }
0x68: {  	_ =	shalt  }
0x69: {  	_ =	shalt  }
0x6a: {  	_ =	shalt  }
0x6b: {  	_ =	shalt  }
0x6c: {  	_ =	shalt  }
0x6d: {  	_ =	shalt  }
0x6e: {  	_ =	shalt  }
0x6f: {  	_ =	shalt  }
0x70: {  	_ =	shalt  }
0x71: {  	_ =	shalt  }
0x72: {  	_ =	shalt  }
0x73: {  	_ =	shalt  }
0x74: {  	_ =	shalt  }
0x75: {  	_ =	shalt  }
0x76: {  	_ =	shalt  }
0x77: {  	_ =	shalt  }
0x78: {  	_ =	shalt  }
0x79: {  	_ =	shalt  }
0x7a: {  	_ =	shalt  }
0x7b: {  	_ =	shalt  }
0x7c: {  	_ =	shalt  }
0x7d: {  	_ =	shalt  }
0x7e: {  	_ =	shalt  }
0x7f: {  	_ =	shalt  }
0x80: {  	_ =	shalt  }
0x81: {  	_ =	shalt  }
0x82: {  	_ =	shalt  }
0x83: {  	_ =	shalt  }
0x84: {  	_ =	shalt  }
0x85: {  	_ =	shalt  }
0x86: {  	_ =	shalt  }
0x87: {  	_ =	shalt  }
.Lfunc_end0:
.L_simem_size_0:
called_computation.1_lowered:
.L_overlay_start_0:
0x88: {  	s2 =	sld [smem:$0x3FD9]  }
0x89: {  	s3 =	sld [smem:$0x3FFE];
	_ =	sdelay $0x1  }
0x8a: {  	s1 =	srdreg.scid  }
0x8b: {  	s0 =	sand.u32 $0x1, s1  }
0x8c: {  	s17 =	sshll.u32 s0, $0xA;
	s2 =	sadd.s32 s3, s2  }
0x8d: {  	s2 =	sadd.s32 s2, s17  }
0x8e: {  	[smem:$0x3FC4] =	sst s2  }
0x8f: {  	_ = 	snop  }
0x90: {  	s2 =	sld [smem:$0x3FD0];
	(tm) =	ssettm $0x1  }
0x91: {  	s18 =	sld [smem:$0x3FFB];
	_ =	sdelay $0x3  }
0x92: {  	_ =	strace s18  }
0x93: {  	s3 =	sld [smem:$0x3FFC];
	_ =	sdelay $0x3  }
0x94: {  	_ =	strace s3  }
0x95: {  	s3 =	sld [smem:$0x3FFD];
	_ =	sdelay $0x3  }
0x96: {  	_ =	strace s3  }
0x97: {  	_ =	strace $0x8FFFFFFF  }
0x98: {  	s19 =	sld [smem:$0x3FDB];
	_ =	sdelay $0x1  }
0x99: {  	s4 =	simm.s32 $_scs_section_size  }
0x9a: {  	s5 =	simm.s32 $_size__tile_overlayer_lowered;
	s6 =	simm.s32 $_tile_overlayer_lowered  }
0x9b: {  	s22 =	simm.s32 $0x1BFF;
	s21 =	sshll.u32 s6, $0x1;
	s3 =	sadd.s32 s4, s19  }
0x9c: {  	s7 =	simm.s32 $0x0;
	s20 =	sshll.u32 s5, $0x1;
	s5 =	sadd.s32 s21, s3  }
0x9d: {  	[timem:s7], [sflag:s22] =	dma.local [hbm:s5], s20  }
0x9e: {  	_ =	swait.ge [sflag:s22], s20  }
0x9f: {  	s4 =	ssub.s32 $0x0, s20;
	[sflag:s22] =	ssyncset.done $0x0  }
0xa0: {  	[sflag:s22] =	ssyncadd.s32 s4;
	_ =	sdelay $0x1  }
0xa1: {  	s23 =	simm.s32 $0x1B8B  }
0xa2: {  	_ =	swait.ge [sflag:s23], $0x1  }
0xa3: {  	[sflag:s23] =	ssyncset.done $0x0  }
0xa4: {  	s25 =	simm.s32 $0x1B8E;
	s24 =	sld [smem:$0x3FFE];
	[sflag:s23] =	ssyncadd.s32 $0xFFFFFFFF  }
0xa5: {  	s26 =	simm.s32 $execute0_lowered;
	[smem:$0x3FD2] =	sst s25  }
0xa6: {  	s5 =	sshll.u32 s26, $0x1;
	_ =	strace $0x80000046;
	[dreg:$0x1] =	wrdreg $0xFFFFFFFF  }
0xa7: {  	s28 =	simm.s32 $_size_execute0_lowered;
	s3 =	sadd.s32 s3, s5;
	[dreg:$0x0] =	wrdreg $0x0  }
0xa8: {  	s5 =	sshll.u32 s28, $0x1;
	[dreg:$0x2] =	wrdreg s3  }
0xa9: {  	[dreg:$0x3] =	wrdreg s5  }
0xaa: {  	[dreg:$0x4] =	wrdreg $0xC0  }
0xab: {  	_ =	task [dreg:s7], $0x5FFFF  }
0xac: {  	[dreg:$0x1] =	wrdreg $0xFFFFFFFF  }
0xad: {  	[dreg:$0x0] =	wrdreg $0x60  }
0xae: {  	[dreg:$0x2] =	wrdreg s24  }
0xaf: {  	[dreg:$0x3] =	wrdreg s2  }
0xb0: {  	[dreg:$0x4] =	wrdreg $0x9  }
0xb1: {  	_ =	task.clear_ibuf [dreg:s7], $0x5FFFF;
	_ =	strace $0x90000046  }
0xb2: {  	s29 =	simm.s32 $0x9;
	_ =	strace $0x80000048  }
0xb3: {  	_ =	swait.ge [sflag:s29], $0x1  }
0xb4: {  	[sflag:s29] =	ssyncadd.s32 $0xFFFFFFFF  }
0xb5: {  	_ =	strace $0x90000048  }
0xb6: {  	_ =	sfence  }
0xb7: {  	s30 =	sld [smem:$0x0];
	_ =	sdelay $0x2  }
0xb8: {  	s31 =	sshll.u32 s1, $0xD;
	s1 =	sshrl.u32 s1, $0x2  }
0xb9: {  	s3 =	sand.u32 $0x4000, s31;
	s1 =	sadd.s32 s1, s30  }
0xba: {  	s0 =	sor.u32 s3, s0;
	s1 =	sshll.u32 s1, $0x11  }
0xbb: {  	s0 =	sor.u32 s1, s0  }
0xbc: {  	s0 =	sadd.s32 $0x8F2B, s0  }
0xbd: {  	[sflag:s0] =	ssyncadd.remote.s32 $0x1  }
0xbe: {  	_ =	sfence.sel $0xFFFF  }
0xbf: {  	[dreg:$0x0] =	wrdreg $0xFFFFFFFF;
	(pc) =	sbr.abs _section_cstart, $3  }
0xc0: {  	[dreg:$0x1] =	wrdreg $0xFFFFFFFF  }
0xc1: {  	_ =	task.clear_ibuf [dreg:s7], $0x2FFFF;
	_ =	strace $0x9FFFFFFF  }
0xc2: {  	(tm) =	ssettm $0x7FFFFFFF  }
0xc3: {  	_ =	shalt  }
tec
execute0_lowered:
.L_overlay_start_1:
0x0: {  	(tag) =	ssettag $0x1  }
0x1: {  	s0 =	rddreg [dreg:$0x0]  }
0x2: {  	s2 =	rddreg [dreg:$0x1]  }
0x3: {  	s3 =	simm.s32 $0x0;
	s1 =	srdreg.scid;
	s4 =	stileid.u32  }
0x4: {  	s20 =	simm.s32 $0x5;
	s28 =	simm.s32 $0x10780;
	s29 =	simm.s32 $0x1  }
0x5: {  	s30 =	simm.s32 $0x10980;
	s31 =	simm.s32 $0x2;
	s21 =	simm.s32 $0x4  }
0x6: {  	[smem:$0x7FF] =	sst s3;
	s1 =	sand.u32 $0x1, s1;
	s4 =	sshll.u32 s4, $0x1  }
0x7: {  	s5 =	sadd.s32 $0x4BC00, s0;
	s22 =	sadd.s32 $0x4DC00, s0;
	s7 =	sadd.s32 $0x32C00, s0  }
0x8: {  	s8 =	sadd.s32 $0x19C00, s0;
	s9 =	sadd.s32 $0xC00, s0;
	_ =	strace $0x80000047  }
0x9: {  	s4 =	sor.u32 s1, s4;
	[dreg:$0x3] =	wrdreg s5;
	s1 =	ssub.s32 $0x2, s1  }
0xa: {  	[dreg:$0x4] =	wrdreg s22;
	s6 =	smul.u32 $0x6400, s4;
	s23 =	sshrl.u32 s1, $0x1  }
0xb: {  	s22 =	simm.s32 $0x0;
	s0 =	ssub.s32 s1, s23;
	s1 =	simm.s32 $0x3  }
0xc: {  	s4 =	sshrl.u32 s6, $0x3;
	s16 =	sor.u32 $0x320, s6;
	s17 =	sor.u32 $0x190, s6  }
.Ltmp0:
0xd: {  	s18 =	sadd.s32 $0x4B0, s6;
	s19 =	smax.u32 s0, $0x1;
	(pc) =	sbr.rel .LBB2_1-.Ltmp0, $4  }
0xe: {  	v0 =	vlaneseq.u32;
	s0 =	simm.s32 $0x16D80;
	s24 =	sadd.s32 s7, s4;
	s25 =	sor.u32 $0x32, s4  }
0xf: {  	v0 =	vmul.u32 $0x40, v0;
	s26 =	sadd.s32 s8, s4;
	s12 =	sadd.s32 s9, s4;
	[dreg:$0x5] =	wrdreg s24  }
0x10: {  	v4 =	vimm.f32 $0.0e+00;
	[dreg:$0x6] =	wrdreg s26;
	s13 =	sadd.s32 s7, s25;
	s14 =	sadd.s32 s8, s25  }
0x11: {  	v1 =	vor.u32 $0x15, v0;
	v2 =	vor.u32 $0x2A, v0;
	v3 =	vor.u32 $0x3F, v0;
	s15 =	sadd.s32 s9, s25;
	s25 =	simm.s32 $0x10380;
	s26 =	simm.s32 $0x10580  }
.LBB2_8:
0x12: {  	s22 =	sadd.s32 $0x1, s22  }
0x13: {  	_ =	swait.ge [sflag:s1], $0x6400;
	p0 =	sne.s32 s22, s19  }
.Ltmp1:
0x14: {  	[sflag:s1] =	ssyncset.done $0x0;
	(pc) =	sbr.rel @!p0 .LBB2_9-.Ltmp1, $4  }
0x15: {  	[sflag:s1] =	ssyncadd.s32 $0xFFFF9C00  }
0x16: {  	_ =	swait.ge [sflag:s21], $0x6400  }
0x17: {  	[sflag:s21] =	ssyncset.done $0x0  }
0x18: {  	[sflag:s21] =	ssyncadd.s32 $0xFFFF9C00  }
.LBB2_1:
0x19: {  	s4 =	rddreg [dreg:$0x3]  }
0x1a: {  	[tilespmem:s3], [sflag:$0x5] =	stream.linear.gather [hbm4b:s4+s3], $0xFC00, $0x38;
	[tilespmem:$0x1D180] =	vst v63  }
0x1b: {  	_ =	swait.ge [sflag:s20], $0xFC00  }
0x1c: {  	[sflag:s20] =	ssyncset.done $0x0  }
0x1d: {  	s5 =	simm.s32 $0xFC00;
	s24 =	rddreg [dreg:$0x4];
	[sflag:s20] =	ssyncadd.s32 $0xFFFF0400  }
0x1e: {  	[tilespmem:s5], [sflag:$0x5] =	stream.linear.gather [hbm4b:s24+s3], $0x180, $0x38;
	[tilespmem:$0x1D180] =	vst v63  }
0x1f: {  	_ =	swait.ge [sflag:s20], $0x180  }
0x20: {  	[sflag:s20] =	ssyncset.done $0x0  }
0x21: {  	s10 =	simm.s32 $0xFD80;
	s5 =	rddreg [dreg:$0x5];
	[sflag:s20] =	ssyncadd.s32 $0xFFFFFE80  }
0x22: {  	[tilespmem:s10], [sflag:$0x1] =	stream.linear.gather [hbm4b:s5+s3], $0x190, $0x38;
	[tilespmem:$0x1D180] =	vst v63  }
0x23: {  	s23 =	simm.s32 $0xFF80;
	s11 =	rddreg [dreg:$0x6]  }
0x24: {  	[tilespmem:s23], [sflag:$0x1] =	stream.linear.gather [hbm4b:s11+s3], $0x190, $0x38;
	[tilespmem:$0x1D180] =	vst v63  }
0x25: {  	s24 =	simm.s32 $0x10180  }
0x26: {  	[tilespmem:s24], [sflag:$0x1] =	stream.linear.gather [hbm4b:s12+s3], $0x190, $0x38;
	[tilespmem:$0x1D180] =	vst v63  }
0x27: {  	_ = 	snop  }
0x28: {  	[tilespmem:s25], [sflag:$0x2] =	stream.linear.gather [hbm4b:s13+s3], $0x190, $0x38;
	[tilespmem:$0x1D180] =	vst v63  }
0x29: {  	_ = 	snop  }
0x2a: {  	[tilespmem:s26], [sflag:$0x2] =	stream.linear.gather [hbm4b:s14+s3], $0x190, $0x38;
	[tilespmem:$0x1D180] =	vst v63  }
0x2b: {  	s23 =	simm.s32 $0x0  }
0x2c: {  	[tilespmem:s28], [sflag:$0x2] =	stream.linear.gather [hbm4b:s15+s3], $0x190, $0x38;
	[tilespmem:$0x1D180] =	vst v63  }
.LBB2_2:
0x2d: {  	_ =	swait.ge [sflag:s29], $0x190  }
0x2e: {  	[sflag:s29] =	ssyncset.done $0x0  }
0x2f: {  	[sflag:s29] =	ssyncadd.s32 $0xFFFFFE70  }
0x30: {  	_ =	swait.ge [sflag:s29], $0x190  }
0x31: {  	[sflag:s29] =	ssyncset.done $0x0  }
0x32: {  	[sflag:s29] =	ssyncadd.s32 $0xFFFFFE70  }
0x33: {  	_ =	swait.ge [sflag:s29], $0x190  }
0x34: {  	p0 =	seq.s32 s23, $0x0;
	[sflag:s29] =	ssyncset.done $0x0  }
0x35: {  	s4 =	simm.s32 @!p0 $0x3;
	[sflag:s29] =	ssyncadd.s32 $0xFFFFFE70  }
0x36: {  	_ =	swait.ge @!p0 [sflag:s4], $0x6400  }
0x37: {  	s24 =	simm.s32 $0x0;
	s5 =	simm.s32 $0xFF80;
	[sflag:s4] =	ssyncset.done @!p0 $0x0  }
0x38: {  	s10 =	simm.s32 $0x10180;
	[sflag:s4] =	ssyncadd.s32 @!p0 $0xFFFF9C00;
	s4 =	simm.s32 $0xFD80  }
.LBB2_3:
0x39: {  	v25 =	vld [tilespmem:$0xFC00]  }
0x3a: {  	v26 =	vld [tilespmem:$0xFC10]  }
0x3b: {  	v27 =	vld [tilespmem:$0xFC20]  }
0x3c: {  	v28 =	vld [tilespmem:$0xFC30]  }
0x3d: {  	v29 =	vld [tilespmem:$0xFC40]  }
0x3e: {  	v30 =	vld [tilespmem:$0xFC50]  }
0x3f: {  	v31 =	vld [tilespmem:$0xFC60]  }
0x40: {  	v24 =	vld [tilespmem:$0xFC70]  }
0x41: {  	v23 =	vld [tilespmem:$0xFC80]  }
0x42: {  	v22 =	vld [tilespmem:$0xFC90]  }
0x43: {  	v21 =	vld [tilespmem:$0xFCA0]  }
0x44: {  	v5 =	vld [tilespmem:s4+$0x0]  }
0x45: {  	v6 =	vld [tilespmem:s5+$0x0]  }
0x46: {  	v7 =	vld [tilespmem:s10+$0x0]  }
0x47: {  	v20 =	vld [tilespmem:$0xFCB0]  }
0x48: {  	v19 =	vld [tilespmem:$0xFCC0]  }
0x49: {  	v18 =	vld [tilespmem:$0xFCD0]  }
0x4a: {  	v11 =	vld [tilespmem:$0xFCE0];
	v12 =	vmul.u32 $0x15, v5  }
0x4b: {  	v10 =	vld [tilespmem:$0xFCF0]  }
0x4c: {  	v9 =	vld [tilespmem:$0xFD00];
	v15 =	vadd.s32 v25, v12  }
0x4d: {  	v8 =	vld [tilespmem:$0xFD10];
	v5 =	vmul.u32 $0x15, v6;
	v6 =	vmul.u32 $0x15, v7;
	v32 =	vadd.s32 v26, v12  }
0x4e: {  	v7 =	vld [tilespmem:$0xFD20];
	v48 =	vadd.s32 v27, v12  }
0x4f: {  	v14 =	vadd.s32 $0xA800, v6;
	v6 =	vld [tilespmem:$0xFD30];
	v38 =	vadd.s32 v28, v12  }
0x50: {  	v13 =	vadd.s32 $0x5400, v5;
	v5 =	vld [tilespmem:$0xFD40];
	v52 =	vadd.s32 v29, v12  }
0x51: {  	v45 =	vadd.s32 v30, v12;
	v34 =	vld.idx.msk [tilespmem:v15+s3+$0x0], $0xffff  }
0x52: {  	v16 =	vadd.s32 v25, v13;
	v32 =	vld.idx.msk [tilespmem:v32+s3+$0x0], $0xffff  }
0x53: {  	v17 =	vadd.s32 v25, v14;
	v40 =	vld.idx.msk [tilespmem:v48+s3+$0x0], $0xffff  }
0x54: {  	v33 =	vadd.s32 v26, v13;
	v38 =	vld.idx.msk [tilespmem:v38+s3+$0x0], $0xffff  }
0x55: {  	v47 =	vadd.s32 v26, v14;
	v48 =	vld.idx.msk [tilespmem:v52+s3+$0x0], $0xffff  }
0x56: {  	v49 =	vadd.s32 v27, v13;
	v45 =	vld.idx.msk [tilespmem:v45+s3+$0x0], $0xffff  }
0x57: {  	v37 =	vadd.s32 v27, v14;
	v35 =	vld.idx.msk [tilespmem:v16+s3+$0x0], $0xffff  }
0x58: {  	v50 =	vadd.s32 v28, v13;
	v36 =	vld.idx.msk [tilespmem:v17+s3+$0x0], $0xffff  }
0x59: {  	v51 =	vadd.s32 v28, v14;
	v33 =	vld.idx.msk [tilespmem:v33+s3+$0x0], $0xffff  }
0x5a: {  	v42 =	vadd.s32 v29, v13;
	v39 =	vld.idx.msk [tilespmem:v47+s3+$0x0], $0xffff  }
0x5b: {  	v43 =	vadd.s32 v29, v14;
	v41 =	vld.idx.msk [tilespmem:v49+s3+$0x0], $0xffff  }
0x5c: {  	v52 =	vadd.s32 v31, v14;
	v37 =	vld.idx.msk [tilespmem:v37+s3+$0x0], $0xffff  }
0x5d: {  	v44 =	vld.idx.msk [tilespmem:v50+s3+$0x0], $0xffff;
	v47 =	vadd.s32 v30, v13  }
0x5e: {  	v46 =	vld.idx.msk [tilespmem:v51+s3+$0x0], $0xffff;
	v49 =	vadd.s32 v30, v14  }
0x5f: {  	v15 =	vor.u32 s24, v0;
	v42 =	vld.idx.msk [tilespmem:v42+s3+$0x0], $0xffff;
	v50 =	vadd.s32 v31, v12  }
0x60: {  	v43 =	vld.idx.msk [tilespmem:v43+s3+$0x0], $0xffff;
	v51 =	vadd.s32 v31, v13;
	v16 =	vor.u32 s24, v1;
	v53 =	vadd.s32 v15, v25  }
0x61: {  	v17 =	vor.u32 s24, v2;
	v54 =	vadd.s32 v16, v25;
	v52 =	vld.idx.msk [tilespmem:v52+s3+$0x0], $0xffff  }
0x62: {  	v25 =	vadd.s32 v17, v25;
	v47 =	vld.idx.msk [tilespmem:v47+s3+$0x0], $0xffff  }
0x63: {  	v55 =	vadd.s32 v15, v26;
	v49 =	vld.idx.msk [tilespmem:v49+s3+$0x0], $0xffff  }
0x64: {  	v56 =	vadd.s32 v16, v26;
	v50 =	vld.idx.msk [tilespmem:v50+s3+$0x0], $0xffff  }
0x65: {  	v26 =	vadd.s32 v17, v26;
	v51 =	vld.idx.msk [tilespmem:v51+s3+$0x0], $0xffff;
	[tilespmem:v53+s30+$0x0] =	vst.idx.msk $0xffff, v34  }
0x66: {  	v53 =	vadd.s32 v15, v27;
	[tilespmem:v54+s30+$0x0] =	vst.idx.msk $0xffff, v35  }
0x67: {  	v54 =	vadd.s32 v16, v27;
	[tilespmem:v25+s30+$0x0] =	vst.idx.msk $0xffff, v36  }
0x68: {  	v27 =	vadd.s32 v17, v27;
	[tilespmem:v55+s30+$0x0] =	vst.idx.msk $0xffff, v32  }
0x69: {  	[tilespmem:v56+s30+$0x0] =	vst.idx.msk $0xffff, v33;
	v56 =	vadd.s32 v15, v28  }
0x6a: {  	v57 =	vadd.s32 v16, v28;
	[tilespmem:v26+s30+$0x0] =	vst.idx.msk $0xffff, v39  }
0x6b: {  	v28 =	vadd.s32 v17, v28;
	[tilespmem:v53+s30+$0x0] =	vst.idx.msk $0xffff, v40  }
0x6c: {  	v58 =	vadd.s32 v15, v29;
	[tilespmem:v54+s30+$0x0] =	vst.idx.msk $0xffff, v41  }
0x6d: {  	v59 =	vadd.s32 v16, v29;
	[tilespmem:v27+s30+$0x0] =	vst.idx.msk $0xffff, v37  }
0x6e: {  	v29 =	vadd.s32 v17, v29;
	[tilespmem:v56+s30+$0x0] =	vst.idx.msk $0xffff, v38  }
0x6f: {  	v60 =	vadd.s32 v15, v30;
	[tilespmem:v57+s30+$0x0] =	vst.idx.msk $0xffff, v44  }
0x70: {  	v61 =	vadd.s32 v16, v30;
	[tilespmem:v28+s30+$0x0] =	vst.idx.msk $0xffff, v46  }
0x71: {  	v62 =	vadd.s32 v17, v30;
	[tilespmem:v58+s30+$0x0] =	vst.idx.msk $0xffff, v48  }
0x72: {  	v63 =	vadd.s32 v15, v31;
	[tilespmem:v59+s30+$0x0] =	vst.idx.msk $0xffff, v42  }
0x73: {  	v32 =	vadd.s32 v16, v31;
	[tilespmem:v29+s30+$0x0] =	vst.idx.msk $0xffff, v43  }
0x74: {  	v33 =	vadd.s32 v17, v31;
	[tilespmem:v60+s30+$0x0] =	vst.idx.msk $0xffff, v45  }
0x75: {  	v34 =	vadd.s32 v24, v12;
	[tilespmem:v61+s30+$0x0] =	vst.idx.msk $0xffff, v47  }
0x76: {  	v35 =	vadd.s32 v24, v13;
	[tilespmem:v62+s30+$0x0] =	vst.idx.msk $0xffff, v49  }
0x77: {  	v36 =	vadd.s32 v24, v14;
	[tilespmem:v63+s30+$0x0] =	vst.idx.msk $0xffff, v50  }
0x78: {  	v37 =	vadd.s32 v23, v12;
	[tilespmem:v32+s30+$0x0] =	vst.idx.msk $0xffff, v51  }
0x79: {  	v38 =	vadd.s32 v23, v13;
	[tilespmem:v33+s30+$0x0] =	vst.idx.msk $0xffff, v52  }
0x7a: {  	v39 =	vadd.s32 v23, v14;
	v28 =	vld.idx.msk [tilespmem:v34+s3+$0x0], $0xffff  }
0x7b: {  	v40 =	vadd.s32 v22, v12;
	v25 =	vld.idx.msk [tilespmem:v35+s3+$0x0], $0xffff  }
0x7c: {  	v41 =	vadd.s32 v22, v13;
	v27 =	vld.idx.msk [tilespmem:v36+s3+$0x0], $0xffff  }
0x7d: {  	v42 =	vadd.s32 v22, v14;
	v29 =	vld.idx.msk [tilespmem:v37+s3+$0x0], $0xffff  }
0x7e: {  	v43 =	vadd.s32 v21, v12;
	v26 =	vld.idx.msk [tilespmem:v38+s3+$0x0], $0xffff  }
0x7f: {  	v44 =	vadd.s32 v21, v13;
	v30 =	vld.idx.msk [tilespmem:v39+s3+$0x0], $0xffff  }
0x80: {  	v45 =	vadd.s32 v21, v14;
	v31 =	vld.idx.msk [tilespmem:v40+s3+$0x0], $0xffff  }
0x81: {  	v46 =	vadd.s32 v20, v12;
	v32 =	vld.idx.msk [tilespmem:v41+s3+$0x0], $0xffff  }
0x82: {  	v47 =	vadd.s32 v20, v13;
	v33 =	vld.idx.msk [tilespmem:v42+s3+$0x0], $0xffff  }
0x83: {  	v48 =	vadd.s32 v20, v14;
	v34 =	vld.idx.msk [tilespmem:v43+s3+$0x0], $0xffff  }
0x84: {  	v53 =	vadd.s32 v18, v13;
	v35 =	vld.idx.msk [tilespmem:v44+s3+$0x0], $0xffff  }
0x85: {  	v54 =	vadd.s32 v18, v14;
	v36 =	vld.idx.msk [tilespmem:v45+s3+$0x0], $0xffff  }
0x86: {  	v49 =	vadd.s32 v19, v12;
	v37 =	vld.idx.msk [tilespmem:v46+s3+$0x0], $0xffff  }
0x87: {  	v50 =	vadd.s32 v19, v13;
	v38 =	vld.idx.msk [tilespmem:v47+s3+$0x0], $0xffff  }
0x88: {  	v51 =	vadd.s32 v19, v14;
	v39 =	vld.idx.msk [tilespmem:v48+s3+$0x0], $0xffff  }
0x89: {  	v55 =	vadd.s32 v15, v24;
	v52 =	vadd.s32 v18, v12;
	v44 =	vld.idx.msk [tilespmem:v53+s3+$0x0], $0xffff  }
0x8a: {  	v56 =	vadd.s32 v16, v24;
	v45 =	vld.idx.msk [tilespmem:v54+s3+$0x0], $0xffff  }
0x8b: {  	v24 =	vadd.s32 v17, v24;
	v40 =	vld.idx.msk [tilespmem:v49+s3+$0x0], $0xffff  }
0x8c: {  	v57 =	vadd.s32 v15, v23;
	v41 =	vld.idx.msk [tilespmem:v50+s3+$0x0], $0xffff  }
0x8d: {  	v58 =	vadd.s32 v16, v23;
	v42 =	vld.idx.msk [tilespmem:v51+s3+$0x0], $0xffff  }
0x8e: {  	v23 =	vadd.s32 v17, v23;
	v43 =	vld.idx.msk [tilespmem:v52+s3+$0x0], $0xffff;
	[tilespmem:v55+s30+$0x0] =	vst.idx.msk $0xffff, v28  }
0x8f: {  	v59 =	vadd.s32 v15, v22;
	[tilespmem:v56+s30+$0x0] =	vst.idx.msk $0xffff, v25  }
0x90: {  	v60 =	vadd.s32 v16, v22;
	[tilespmem:v24+s30+$0x0] =	vst.idx.msk $0xffff, v27  }
0x91: {  	v22 =	vadd.s32 v17, v22;
	[tilespmem:v57+s30+$0x0] =	vst.idx.msk $0xffff, v29  }
0x92: {  	v61 =	vadd.s32 v15, v21;
	[tilespmem:v58+s30+$0x0] =	vst.idx.msk $0xffff, v26  }
0x93: {  	v62 =	vadd.s32 v16, v21;
	[tilespmem:v23+s30+$0x0] =	vst.idx.msk $0xffff, v30  }
0x94: {  	v21 =	vadd.s32 v17, v21;
	[tilespmem:v59+s30+$0x0] =	vst.idx.msk $0xffff, v31  }
0x95: {  	v63 =	vadd.s32 v15, v20;
	[tilespmem:v60+s30+$0x0] =	vst.idx.msk $0xffff, v32  }
0x96: {  	v27 =	vadd.s32 v16, v20;
	[tilespmem:v22+s30+$0x0] =	vst.idx.msk $0xffff, v33  }
0x97: {  	v20 =	vadd.s32 v17, v20;
	[tilespmem:v61+s30+$0x0] =	vst.idx.msk $0xffff, v34  }
0x98: {  	v28 =	vadd.s32 v15, v19;
	[tilespmem:v62+s30+$0x0] =	vst.idx.msk $0xffff, v35  }
0x99: {  	v29 =	vadd.s32 v16, v19;
	[tilespmem:v21+s30+$0x0] =	vst.idx.msk $0xffff, v36  }
0x9a: {  	v19 =	vadd.s32 v17, v19;
	[tilespmem:v63+s30+$0x0] =	vst.idx.msk $0xffff, v37  }
0x9b: {  	v30 =	vadd.s32 v15, v18;
	[tilespmem:v27+s30+$0x0] =	vst.idx.msk $0xffff, v38  }
0x9c: {  	v31 =	vadd.s32 v16, v18;
	[tilespmem:v20+s30+$0x0] =	vst.idx.msk $0xffff, v39  }
0x9d: {  	v18 =	vadd.s32 v17, v18;
	[tilespmem:v28+s30+$0x0] =	vst.idx.msk $0xffff, v40  }
0x9e: {  	v32 =	vadd.s32 v11, v12;
	[tilespmem:v29+s30+$0x0] =	vst.idx.msk $0xffff, v41  }
0x9f: {  	v33 =	vadd.s32 v11, v13;
	[tilespmem:v19+s30+$0x0] =	vst.idx.msk $0xffff, v42  }
0xa0: {  	v34 =	vadd.s32 v11, v14;
	[tilespmem:v30+s30+$0x0] =	vst.idx.msk $0xffff, v43  }
0xa1: {  	v35 =	vadd.s32 v10, v12;
	[tilespmem:v31+s30+$0x0] =	vst.idx.msk $0xffff, v44  }
0xa2: {  	v36 =	vadd.s32 v10, v13;
	[tilespmem:v18+s30+$0x0] =	vst.idx.msk $0xffff, v45  }
0xa3: {  	v37 =	vadd.s32 v10, v14;
	v21 =	vld.idx.msk [tilespmem:v32+s3+$0x0], $0xffff  }
0xa4: {  	v38 =	vadd.s32 v9, v12;
	v19 =	vld.idx.msk [tilespmem:v33+s3+$0x0], $0xffff  }
0xa5: {  	v39 =	vadd.s32 v9, v13;
	v22 =	vld.idx.msk [tilespmem:v34+s3+$0x0], $0xffff  }
0xa6: {  	v40 =	vadd.s32 v9, v14;
	v20 =	vld.idx.msk [tilespmem:v35+s3+$0x0], $0xffff  }
0xa7: {  	v41 =	vadd.s32 v8, v12;
	v18 =	vld.idx.msk [tilespmem:v36+s3+$0x0], $0xffff  }
0xa8: {  	v46 =	vadd.s32 v7, v14;
	v23 =	vld.idx.msk [tilespmem:v37+s3+$0x0], $0xffff  }
0xa9: {  	v47 =	vadd.s32 v6, v12;
	v24 =	vld.idx.msk [tilespmem:v38+s3+$0x0], $0xffff  }
0xaa: {  	v48 =	vadd.s32 v6, v13;
	v25 =	vld.idx.msk [tilespmem:v39+s3+$0x0], $0xffff  }
0xab: {  	v49 =	vadd.s32 v6, v14;
	v26 =	vld.idx.msk [tilespmem:v40+s3+$0x0], $0xffff  }
0xac: {  	v42 =	vadd.s32 v8, v13;
	v27 =	vld.idx.msk [tilespmem:v41+s3+$0x0], $0xffff  }
0xad: {  	v43 =	vadd.s32 v8, v14;
	v32 =	vld.idx.msk [tilespmem:v46+s3+$0x0], $0xffff  }
0xae: {  	v14 =	vadd.s32 v5, v14;
	v33 =	vld.idx.msk [tilespmem:v47+s3+$0x0], $0xffff  }
0xaf: {  	v44 =	vadd.s32 v7, v12;
	v34 =	vld.idx.msk [tilespmem:v48+s3+$0x0], $0xffff  }
0xb0: {  	v12 =	vadd.s32 v5, v12;
	v35 =	vld.idx.msk [tilespmem:v49+s3+$0x0], $0xffff  }
0xb1: {  	v45 =	vadd.s32 v7, v13;
	v28 =	vld.idx.msk [tilespmem:v42+s3+$0x0], $0xffff  }
0xb2: {  	v50 =	vadd.s32 v15, v11;
	v13 =	vadd.s32 v5, v13;
	v29 =	vld.idx.msk [tilespmem:v43+s3+$0x0], $0xffff  }
0xb3: {  	v51 =	vadd.s32 v16, v11;
	v14 =	vld.idx.msk [tilespmem:v14+s3+$0x0], $0xffff  }
0xb4: {  	v11 =	vadd.s32 v17, v11;
	v30 =	vld.idx.msk [tilespmem:v44+s3+$0x0], $0xffff  }
0xb5: {  	v52 =	vadd.s32 v15, v10;
	v12 =	vld.idx.msk [tilespmem:v12+s3+$0x0], $0xffff  }
0xb6: {  	v53 =	vadd.s32 v16, v10;
	v31 =	vld.idx.msk [tilespmem:v45+s3+$0x0], $0xffff  }
0xb7: {  	v10 =	vadd.s32 v17, v10;
	v13 =	vld.idx.msk [tilespmem:v13+s3+$0x0], $0xffff;
	[tilespmem:v50+s30+$0x0] =	vst.idx.msk $0xffff, v21  }
0xb8: {  	v54 =	vadd.s32 v15, v9;
	[tilespmem:v51+s30+$0x0] =	vst.idx.msk $0xffff, v19  }
0xb9: {  	v55 =	vadd.s32 v16, v9;
	[tilespmem:v11+s30+$0x0] =	vst.idx.msk $0xffff, v22  }
0xba: {  	v9 =	vadd.s32 v17, v9;
	[tilespmem:v52+s30+$0x0] =	vst.idx.msk $0xffff, v20  }
0xbb: {  	v56 =	vadd.s32 v15, v8;
	[tilespmem:v53+s30+$0x0] =	vst.idx.msk $0xffff, v18  }
0xbc: {  	v57 =	vadd.s32 v16, v8;
	[tilespmem:v10+s30+$0x0] =	vst.idx.msk $0xffff, v23  }
0xbd: {  	v8 =	vadd.s32 v17, v8;
	[tilespmem:v54+s30+$0x0] =	vst.idx.msk $0xffff, v24  }
0xbe: {  	v58 =	vadd.s32 v15, v7;
	[tilespmem:v55+s30+$0x0] =	vst.idx.msk $0xffff, v25  }
0xbf: {  	v59 =	vadd.s32 v16, v7;
	[tilespmem:v9+s30+$0x0] =	vst.idx.msk $0xffff, v26  }
0xc0: {  	v7 =	vadd.s32 v17, v7;
	[tilespmem:v56+s30+$0x0] =	vst.idx.msk $0xffff, v27  }
0xc1: {  	v60 =	vadd.s32 v15, v6;
	[tilespmem:v57+s30+$0x0] =	vst.idx.msk $0xffff, v28  }
0xc2: {  	v61 =	vadd.s32 v16, v6;
	[tilespmem:v8+s30+$0x0] =	vst.idx.msk $0xffff, v29  }
0xc3: {  	v6 =	vadd.s32 v17, v6;
	[tilespmem:v58+s30+$0x0] =	vst.idx.msk $0xffff, v30  }
0xc4: {  	v62 =	vadd.s32 v15, v5;
	[tilespmem:v59+s30+$0x0] =	vst.idx.msk $0xffff, v31  }
0xc5: {  	[tilespmem:v7+s30+$0x0] =	vst.idx.msk $0xffff, v32;
	v7 =	vadd.s32 v16, v5  }
0xc6: {  	v5 =	vadd.s32 v17, v5;
	[tilespmem:v60+s30+$0x0] =	vst.idx.msk $0xffff, v33  }
0xc7: {  	p1 =	sne.s32 s24, $0x6000;
	v63 =	vor.u32 s24, v3;
	[tilespmem:v61+s30+$0x0] =	vst.idx.msk $0xffff, v34  }
.Ltmp2:
0xc8: {  	[tilespmem:v6+s30+$0x0] =	vst.idx.msk $0xffff, v35;
	(pc) =	sbr.rel @p1 .LBB2_3-.Ltmp2, $4  }
0xc9: {  	[tilespmem:v62+s30+$0x0] =	vst.idx.msk $0xffff, v12  }
0xca: {  	[tilespmem:v7+s30+$0x0] =	vst.idx.msk $0xffff, v13  }
0xcb: {  	s4 =	sadd.s32 $0x10, s4;
	[tilespmem:v5+s30+$0x0] =	vst.idx.msk $0xffff, v14  }
0xcc: {  	s5 =	sadd.s32 $0x10, s5;
	s10 =	sadd.s32 $0x10, s10;
	s24 =	sadd.s32 $0x400, s24;
	[tilespmem:v63+s30+$0x0] =	vst.idx.msk $0xffff, v4  }
0xcd: {  	s24 =	smul.u32 $0x320, s23;
	_ =	sdelay $0x1  }
0xce: {  	s4 =	sadd.s32 s6, s24  }
0xcf: {  	s4 =	sshll.u32 s4, $0x3  }
0xd0: {  	p1 =	seq.s32 s23, $0x1F;
	s4 =	sadd.s32 s2, s4  }
0xd1: {  	[hbm4b:s4+s3] =	stream.linear.scatter [tilespmem:s30], [sflag:$0x3], $0x6400, $0x38;
	[tilespmem:$0x1D180] =	vst v63  }
0xd2: {  	s4 =	sadd.s32 @!p1 s24, s16  }
0xd3: {  	s4 =	sshrl.u32 @!p1 s4, $0x3  }
0xd4: {  	s10 =	simm.s32 @!p1 $0x0;
	s11 =	simm.s32 @!p1 $0xFD80;
	s5 =	sadd.s32 @!p1 s7, s4  }
0xd5: {  	[tilespmem:s11], [sflag:$0x1] =	stream.linear.gather @!p1 [hbm4b:s5+s10], $0x190, $0x38;
	[tilespmem:$0x1D180] =	vst v63  }
0xd6: {  	s5 =	sadd.s32 @!p1 s8, s4;
	s11 =	simm.s32 @!p1 $0xFF80  }
0xd7: {  	[tilespmem:s11], [sflag:$0x1] =	stream.linear.gather @!p1 [hbm4b:s5+s10], $0x190, $0x38;
	[tilespmem:$0x1D180] =	vst v63  }
0xd8: {  	s4 =	sadd.s32 @!p1 s9, s4;
	s5 =	simm.s32 @!p1 $0x10180  }
0xd9: {  	[tilespmem:s5], [sflag:$0x1] =	stream.linear.gather @!p1 [hbm4b:s4+s10], $0x190, $0x38;
	[tilespmem:$0x1D180] =	vst v63  }
0xda: {  	_ =	swait.ge [sflag:s31], $0x190  }
0xdb: {  	[sflag:s31] =	ssyncset.done $0x0  }
0xdc: {  	[sflag:s31] =	ssyncadd.s32 $0xFFFFFE70  }
0xdd: {  	_ =	swait.ge [sflag:s31], $0x190  }
0xde: {  	[sflag:s31] =	ssyncset.done $0x0  }
0xdf: {  	[sflag:s31] =	ssyncadd.s32 $0xFFFFFE70  }
0xe0: {  	_ =	swait.ge [sflag:s31], $0x190  }
0xe1: {  	[sflag:s31] =	ssyncset.done $0x0  }
0xe2: {  	s4 =	simm.s32 @!p0 $0x4;
	[sflag:s31] =	ssyncadd.s32 $0xFFFFFE70  }
0xe3: {  	_ =	swait.ge @!p0 [sflag:s4], $0x6400  }
0xe4: {  	s11 =	simm.s32 $0x10780;
	s5 =	simm.s32 $0x10380;
	[sflag:s4] =	ssyncset.done @!p0 $0x0  }
0xe5: {  	s10 =	simm.s32 $0x10580;
	[sflag:s4] =	ssyncadd.s32 @!p0 $0xFFFF9C00;
	s4 =	simm.s32 $0x0  }
.LBB2_5:
0xe6: {  	v25 =	vld [tilespmem:$0xFC00]  }
0xe7: {  	v26 =	vld [tilespmem:$0xFC10]  }
0xe8: {  	v27 =	vld [tilespmem:$0xFC20]  }
0xe9: {  	v28 =	vld [tilespmem:$0xFC30]  }
0xea: {  	v29 =	vld [tilespmem:$0xFC40]  }
0xeb: {  	v30 =	vld [tilespmem:$0xFC50]  }
0xec: {  	v31 =	vld [tilespmem:$0xFC60]  }
0xed: {  	v24 =	vld [tilespmem:$0xFC70]  }
0xee: {  	v23 =	vld [tilespmem:$0xFC80]  }
0xef: {  	v22 =	vld [tilespmem:$0xFC90]  }
0xf0: {  	v21 =	vld [tilespmem:$0xFCA0]  }
0xf1: {  	v5 =	vld [tilespmem:s5+$0x0]  }
0xf2: {  	v6 =	vld [tilespmem:s10+$0x0]  }
0xf3: {  	v7 =	vld [tilespmem:s11+$0x0]  }
0xf4: {  	v20 =	vld [tilespmem:$0xFCB0]  }
0xf5: {  	v19 =	vld [tilespmem:$0xFCC0]  }
0xf6: {  	v18 =	vld [tilespmem:$0xFCD0]  }
0xf7: {  	v11 =	vld [tilespmem:$0xFCE0];
	v12 =	vmul.u32 $0x15, v5  }
0xf8: {  	v10 =	vld [tilespmem:$0xFCF0]  }
0xf9: {  	v9 =	vld [tilespmem:$0xFD00];
	v15 =	vadd.s32 v25, v12  }
0xfa: {  	v8 =	vld [tilespmem:$0xFD10];
	v5 =	vmul.u32 $0x15, v6;
	v6 =	vmul.u32 $0x15, v7;
	v32 =	vadd.s32 v26, v12  }
0xfb: {  	v7 =	vld [tilespmem:$0xFD20];
	v48 =	vadd.s32 v27, v12  }
0xfc: {  	v14 =	vadd.s32 $0xA800, v6;
	v6 =	vld [tilespmem:$0xFD30];
	v38 =	vadd.s32 v28, v12  }
0xfd: {  	v13 =	vadd.s32 $0x5400, v5;
	v5 =	vld [tilespmem:$0xFD40];
	v52 =	vadd.s32 v29, v12  }
0xfe: {  	v45 =	vadd.s32 v30, v12;
	v34 =	vld.idx.msk [tilespmem:v15+s3+$0x0], $0xffff  }
0xff: {  	v16 =	vadd.s32 v25, v13;
	v32 =	vld.idx.msk [tilespmem:v32+s3+$0x0], $0xffff  }
0x100: {  	v17 =	vadd.s32 v25, v14;
	v40 =	vld.idx.msk [tilespmem:v48+s3+$0x0], $0xffff  }
0x101: {  	v33 =	vadd.s32 v26, v13;
	v38 =	vld.idx.msk [tilespmem:v38+s3+$0x0], $0xffff  }
0x102: {  	v47 =	vadd.s32 v26, v14;
	v48 =	vld.idx.msk [tilespmem:v52+s3+$0x0], $0xffff  }
0x103: {  	v49 =	vadd.s32 v27, v13;
	v45 =	vld.idx.msk [tilespmem:v45+s3+$0x0], $0xffff  }
0x104: {  	v37 =	vadd.s32 v27, v14;
	v35 =	vld.idx.msk [tilespmem:v16+s3+$0x0], $0xffff  }
0x105: {  	v50 =	vadd.s32 v28, v13;
	v36 =	vld.idx.msk [tilespmem:v17+s3+$0x0], $0xffff  }
0x106: {  	v51 =	vadd.s32 v28, v14;
	v33 =	vld.idx.msk [tilespmem:v33+s3+$0x0], $0xffff  }
0x107: {  	v42 =	vadd.s32 v29, v13;
	v39 =	vld.idx.msk [tilespmem:v47+s3+$0x0], $0xffff  }
0x108: {  	v43 =	vadd.s32 v29, v14;
	v41 =	vld.idx.msk [tilespmem:v49+s3+$0x0], $0xffff  }
0x109: {  	v52 =	vadd.s32 v31, v14;
	v37 =	vld.idx.msk [tilespmem:v37+s3+$0x0], $0xffff  }
0x10a: {  	v44 =	vld.idx.msk [tilespmem:v50+s3+$0x0], $0xffff;
	v47 =	vadd.s32 v30, v13  }
0x10b: {  	v46 =	vld.idx.msk [tilespmem:v51+s3+$0x0], $0xffff;
	v49 =	vadd.s32 v30, v14  }
0x10c: {  	v15 =	vor.u32 s4, v0;
	v42 =	vld.idx.msk [tilespmem:v42+s3+$0x0], $0xffff;
	v50 =	vadd.s32 v31, v12  }
0x10d: {  	v43 =	vld.idx.msk [tilespmem:v43+s3+$0x0], $0xffff;
	v51 =	vadd.s32 v31, v13;
	v16 =	vor.u32 s4, v1;
	v53 =	vadd.s32 v15, v25  }
0x10e: {  	v17 =	vor.u32 s4, v2;
	v54 =	vadd.s32 v16, v25;
	v52 =	vld.idx.msk [tilespmem:v52+s3+$0x0], $0xffff  }
0x10f: {  	v25 =	vadd.s32 v17, v25;
	v47 =	vld.idx.msk [tilespmem:v47+s3+$0x0], $0xffff  }
0x110: {  	v55 =	vadd.s32 v15, v26;
	v49 =	vld.idx.msk [tilespmem:v49+s3+$0x0], $0xffff  }
0x111: {  	v56 =	vadd.s32 v16, v26;
	v50 =	vld.idx.msk [tilespmem:v50+s3+$0x0], $0xffff  }
0x112: {  	v26 =	vadd.s32 v17, v26;
	v51 =	vld.idx.msk [tilespmem:v51+s3+$0x0], $0xffff;
	[tilespmem:v53+s0+$0x0] =	vst.idx.msk $0xffff, v34  }
0x113: {  	v53 =	vadd.s32 v15, v27;
	[tilespmem:v54+s0+$0x0] =	vst.idx.msk $0xffff, v35  }
0x114: {  	v54 =	vadd.s32 v16, v27;
	[tilespmem:v25+s0+$0x0] =	vst.idx.msk $0xffff, v36  }
0x115: {  	v27 =	vadd.s32 v17, v27;
	[tilespmem:v55+s0+$0x0] =	vst.idx.msk $0xffff, v32  }
0x116: {  	[tilespmem:v56+s0+$0x0] =	vst.idx.msk $0xffff, v33;
	v56 =	vadd.s32 v15, v28  }
0x117: {  	v57 =	vadd.s32 v16, v28;
	[tilespmem:v26+s0+$0x0] =	vst.idx.msk $0xffff, v39  }
0x118: {  	v28 =	vadd.s32 v17, v28;
	[tilespmem:v53+s0+$0x0] =	vst.idx.msk $0xffff, v40  }
0x119: {  	v58 =	vadd.s32 v15, v29;
	[tilespmem:v54+s0+$0x0] =	vst.idx.msk $0xffff, v41  }
0x11a: {  	v59 =	vadd.s32 v16, v29;
	[tilespmem:v27+s0+$0x0] =	vst.idx.msk $0xffff, v37  }
0x11b: {  	v29 =	vadd.s32 v17, v29;
	[tilespmem:v56+s0+$0x0] =	vst.idx.msk $0xffff, v38  }
0x11c: {  	v60 =	vadd.s32 v15, v30;
	[tilespmem:v57+s0+$0x0] =	vst.idx.msk $0xffff, v44  }
0x11d: {  	v61 =	vadd.s32 v16, v30;
	[tilespmem:v28+s0+$0x0] =	vst.idx.msk $0xffff, v46  }
0x11e: {  	v62 =	vadd.s32 v17, v30;
	[tilespmem:v58+s0+$0x0] =	vst.idx.msk $0xffff, v48  }
0x11f: {  	v63 =	vadd.s32 v15, v31;
	[tilespmem:v59+s0+$0x0] =	vst.idx.msk $0xffff, v42  }
0x120: {  	v32 =	vadd.s32 v16, v31;
	[tilespmem:v29+s0+$0x0] =	vst.idx.msk $0xffff, v43  }
0x121: {  	v33 =	vadd.s32 v17, v31;
	[tilespmem:v60+s0+$0x0] =	vst.idx.msk $0xffff, v45  }
0x122: {  	v34 =	vadd.s32 v24, v12;
	[tilespmem:v61+s0+$0x0] =	vst.idx.msk $0xffff, v47  }
0x123: {  	v35 =	vadd.s32 v24, v13;
	[tilespmem:v62+s0+$0x0] =	vst.idx.msk $0xffff, v49  }
0x124: {  	v36 =	vadd.s32 v24, v14;
	[tilespmem:v63+s0+$0x0] =	vst.idx.msk $0xffff, v50  }
0x125: {  	v37 =	vadd.s32 v23, v12;
	[tilespmem:v32+s0+$0x0] =	vst.idx.msk $0xffff, v51  }
0x126: {  	v38 =	vadd.s32 v23, v13;
	[tilespmem:v33+s0+$0x0] =	vst.idx.msk $0xffff, v52  }
0x127: {  	v39 =	vadd.s32 v23, v14;
	v28 =	vld.idx.msk [tilespmem:v34+s3+$0x0], $0xffff  }
0x128: {  	v40 =	vadd.s32 v22, v12;
	v25 =	vld.idx.msk [tilespmem:v35+s3+$0x0], $0xffff  }
0x129: {  	v41 =	vadd.s32 v22, v13;
	v27 =	vld.idx.msk [tilespmem:v36+s3+$0x0], $0xffff  }
0x12a: {  	v42 =	vadd.s32 v22, v14;
	v29 =	vld.idx.msk [tilespmem:v37+s3+$0x0], $0xffff  }
0x12b: {  	v43 =	vadd.s32 v21, v12;
	v26 =	vld.idx.msk [tilespmem:v38+s3+$0x0], $0xffff  }
0x12c: {  	v44 =	vadd.s32 v21, v13;
	v30 =	vld.idx.msk [tilespmem:v39+s3+$0x0], $0xffff  }
0x12d: {  	v45 =	vadd.s32 v21, v14;
	v31 =	vld.idx.msk [tilespmem:v40+s3+$0x0], $0xffff  }
0x12e: {  	v46 =	vadd.s32 v20, v12;
	v32 =	vld.idx.msk [tilespmem:v41+s3+$0x0], $0xffff  }
0x12f: {  	v47 =	vadd.s32 v20, v13;
	v33 =	vld.idx.msk [tilespmem:v42+s3+$0x0], $0xffff  }
0x130: {  	v48 =	vadd.s32 v20, v14;
	v34 =	vld.idx.msk [tilespmem:v43+s3+$0x0], $0xffff  }
0x131: {  	v53 =	vadd.s32 v18, v13;
	v35 =	vld.idx.msk [tilespmem:v44+s3+$0x0], $0xffff  }
0x132: {  	v54 =	vadd.s32 v18, v14;
	v36 =	vld.idx.msk [tilespmem:v45+s3+$0x0], $0xffff  }
0x133: {  	v49 =	vadd.s32 v19, v12;
	v37 =	vld.idx.msk [tilespmem:v46+s3+$0x0], $0xffff  }
0x134: {  	v50 =	vadd.s32 v19, v13;
	v38 =	vld.idx.msk [tilespmem:v47+s3+$0x0], $0xffff  }
0x135: {  	v51 =	vadd.s32 v19, v14;
	v39 =	vld.idx.msk [tilespmem:v48+s3+$0x0], $0xffff  }
0x136: {  	v55 =	vadd.s32 v15, v24;
	v52 =	vadd.s32 v18, v12;
	v44 =	vld.idx.msk [tilespmem:v53+s3+$0x0], $0xffff  }
0x137: {  	v56 =	vadd.s32 v16, v24;
	v45 =	vld.idx.msk [tilespmem:v54+s3+$0x0], $0xffff  }
0x138: {  	v24 =	vadd.s32 v17, v24;
	v40 =	vld.idx.msk [tilespmem:v49+s3+$0x0], $0xffff  }
0x139: {  	v57 =	vadd.s32 v15, v23;
	v41 =	vld.idx.msk [tilespmem:v50+s3+$0x0], $0xffff  }
0x13a: {  	v58 =	vadd.s32 v16, v23;
	v42 =	vld.idx.msk [tilespmem:v51+s3+$0x0], $0xffff  }
0x13b: {  	v23 =	vadd.s32 v17, v23;
	v43 =	vld.idx.msk [tilespmem:v52+s3+$0x0], $0xffff;
	[tilespmem:v55+s0+$0x0] =	vst.idx.msk $0xffff, v28  }
0x13c: {  	v59 =	vadd.s32 v15, v22;
	[tilespmem:v56+s0+$0x0] =	vst.idx.msk $0xffff, v25  }
0x13d: {  	v60 =	vadd.s32 v16, v22;
	[tilespmem:v24+s0+$0x0] =	vst.idx.msk $0xffff, v27  }
0x13e: {  	v22 =	vadd.s32 v17, v22;
	[tilespmem:v57+s0+$0x0] =	vst.idx.msk $0xffff, v29  }
0x13f: {  	v61 =	vadd.s32 v15, v21;
	[tilespmem:v58+s0+$0x0] =	vst.idx.msk $0xffff, v26  }
0x140: {  	v62 =	vadd.s32 v16, v21;
	[tilespmem:v23+s0+$0x0] =	vst.idx.msk $0xffff, v30  }
0x141: {  	v21 =	vadd.s32 v17, v21;
	[tilespmem:v59+s0+$0x0] =	vst.idx.msk $0xffff, v31  }
0x142: {  	v63 =	vadd.s32 v15, v20;
	[tilespmem:v60+s0+$0x0] =	vst.idx.msk $0xffff, v32  }
0x143: {  	v27 =	vadd.s32 v16, v20;
	[tilespmem:v22+s0+$0x0] =	vst.idx.msk $0xffff, v33  }
0x144: {  	v20 =	vadd.s32 v17, v20;
	[tilespmem:v61+s0+$0x0] =	vst.idx.msk $0xffff, v34  }
0x145: {  	v28 =	vadd.s32 v15, v19;
	[tilespmem:v62+s0+$0x0] =	vst.idx.msk $0xffff, v35  }
0x146: {  	v29 =	vadd.s32 v16, v19;
	[tilespmem:v21+s0+$0x0] =	vst.idx.msk $0xffff, v36  }
0x147: {  	v19 =	vadd.s32 v17, v19;
	[tilespmem:v63+s0+$0x0] =	vst.idx.msk $0xffff, v37  }
0x148: {  	v30 =	vadd.s32 v15, v18;
	[tilespmem:v27+s0+$0x0] =	vst.idx.msk $0xffff, v38  }
0x149: {  	v31 =	vadd.s32 v16, v18;
	[tilespmem:v20+s0+$0x0] =	vst.idx.msk $0xffff, v39  }
0x14a: {  	v18 =	vadd.s32 v17, v18;
	[tilespmem:v28+s0+$0x0] =	vst.idx.msk $0xffff, v40  }
0x14b: {  	v32 =	vadd.s32 v11, v12;
	[tilespmem:v29+s0+$0x0] =	vst.idx.msk $0xffff, v41  }
0x14c: {  	v33 =	vadd.s32 v11, v13;
	[tilespmem:v19+s0+$0x0] =	vst.idx.msk $0xffff, v42  }
0x14d: {  	v34 =	vadd.s32 v11, v14;
	[tilespmem:v30+s0+$0x0] =	vst.idx.msk $0xffff, v43  }
0x14e: {  	v35 =	vadd.s32 v10, v12;
	[tilespmem:v31+s0+$0x0] =	vst.idx.msk $0xffff, v44  }
0x14f: {  	v36 =	vadd.s32 v10, v13;
	[tilespmem:v18+s0+$0x0] =	vst.idx.msk $0xffff, v45  }
0x150: {  	v37 =	vadd.s32 v10, v14;
	v21 =	vld.idx.msk [tilespmem:v32+s3+$0x0], $0xffff  }
0x151: {  	v38 =	vadd.s32 v9, v12;
	v19 =	vld.idx.msk [tilespmem:v33+s3+$0x0], $0xffff  }
0x152: {  	v39 =	vadd.s32 v9, v13;
	v22 =	vld.idx.msk [tilespmem:v34+s3+$0x0], $0xffff  }
0x153: {  	v40 =	vadd.s32 v9, v14;
	v20 =	vld.idx.msk [tilespmem:v35+s3+$0x0], $0xffff  }
0x154: {  	v41 =	vadd.s32 v8, v12;
	v18 =	vld.idx.msk [tilespmem:v36+s3+$0x0], $0xffff  }
0x155: {  	v46 =	vadd.s32 v7, v14;
	v23 =	vld.idx.msk [tilespmem:v37+s3+$0x0], $0xffff  }
0x156: {  	v47 =	vadd.s32 v6, v12;
	v24 =	vld.idx.msk [tilespmem:v38+s3+$0x0], $0xffff  }
0x157: {  	v48 =	vadd.s32 v6, v13;
	v25 =	vld.idx.msk [tilespmem:v39+s3+$0x0], $0xffff  }
0x158: {  	v49 =	vadd.s32 v6, v14;
	v26 =	vld.idx.msk [tilespmem:v40+s3+$0x0], $0xffff  }
0x159: {  	v42 =	vadd.s32 v8, v13;
	v27 =	vld.idx.msk [tilespmem:v41+s3+$0x0], $0xffff  }
0x15a: {  	v43 =	vadd.s32 v8, v14;
	v32 =	vld.idx.msk [tilespmem:v46+s3+$0x0], $0xffff  }
0x15b: {  	v14 =	vadd.s32 v5, v14;
	v33 =	vld.idx.msk [tilespmem:v47+s3+$0x0], $0xffff  }
0x15c: {  	v44 =	vadd.s32 v7, v12;
	v34 =	vld.idx.msk [tilespmem:v48+s3+$0x0], $0xffff  }
0x15d: {  	v12 =	vadd.s32 v5, v12;
	v35 =	vld.idx.msk [tilespmem:v49+s3+$0x0], $0xffff  }
0x15e: {  	v45 =	vadd.s32 v7, v13;
	v28 =	vld.idx.msk [tilespmem:v42+s3+$0x0], $0xffff  }
0x15f: {  	v50 =	vadd.s32 v15, v11;
	v13 =	vadd.s32 v5, v13;
	v29 =	vld.idx.msk [tilespmem:v43+s3+$0x0], $0xffff  }
0x160: {  	v51 =	vadd.s32 v16, v11;
	v14 =	vld.idx.msk [tilespmem:v14+s3+$0x0], $0xffff  }
0x161: {  	v11 =	vadd.s32 v17, v11;
	v30 =	vld.idx.msk [tilespmem:v44+s3+$0x0], $0xffff  }
0x162: {  	v52 =	vadd.s32 v15, v10;
	v12 =	vld.idx.msk [tilespmem:v12+s3+$0x0], $0xffff  }
0x163: {  	v53 =	vadd.s32 v16, v10;
	v31 =	vld.idx.msk [tilespmem:v45+s3+$0x0], $0xffff  }
0x164: {  	v10 =	vadd.s32 v17, v10;
	v13 =	vld.idx.msk [tilespmem:v13+s3+$0x0], $0xffff;
	[tilespmem:v50+s0+$0x0] =	vst.idx.msk $0xffff, v21  }
0x165: {  	v54 =	vadd.s32 v15, v9;
	[tilespmem:v51+s0+$0x0] =	vst.idx.msk $0xffff, v19  }
0x166: {  	v55 =	vadd.s32 v16, v9;
	[tilespmem:v11+s0+$0x0] =	vst.idx.msk $0xffff, v22  }
0x167: {  	v9 =	vadd.s32 v17, v9;
	[tilespmem:v52+s0+$0x0] =	vst.idx.msk $0xffff, v20  }
0x168: {  	v56 =	vadd.s32 v15, v8;
	[tilespmem:v53+s0+$0x0] =	vst.idx.msk $0xffff, v18  }
0x169: {  	v57 =	vadd.s32 v16, v8;
	[tilespmem:v10+s0+$0x0] =	vst.idx.msk $0xffff, v23  }
0x16a: {  	v8 =	vadd.s32 v17, v8;
	[tilespmem:v54+s0+$0x0] =	vst.idx.msk $0xffff, v24  }
0x16b: {  	v58 =	vadd.s32 v15, v7;
	[tilespmem:v55+s0+$0x0] =	vst.idx.msk $0xffff, v25  }
0x16c: {  	v59 =	vadd.s32 v16, v7;
	[tilespmem:v9+s0+$0x0] =	vst.idx.msk $0xffff, v26  }
0x16d: {  	v7 =	vadd.s32 v17, v7;
	[tilespmem:v56+s0+$0x0] =	vst.idx.msk $0xffff, v27  }
0x16e: {  	v60 =	vadd.s32 v15, v6;
	[tilespmem:v57+s0+$0x0] =	vst.idx.msk $0xffff, v28  }
0x16f: {  	v61 =	vadd.s32 v16, v6;
	[tilespmem:v8+s0+$0x0] =	vst.idx.msk $0xffff, v29  }
0x170: {  	v6 =	vadd.s32 v17, v6;
	[tilespmem:v58+s0+$0x0] =	vst.idx.msk $0xffff, v30  }
0x171: {  	v62 =	vadd.s32 v15, v5;
	[tilespmem:v59+s0+$0x0] =	vst.idx.msk $0xffff, v31  }
0x172: {  	[tilespmem:v7+s0+$0x0] =	vst.idx.msk $0xffff, v32;
	v7 =	vadd.s32 v16, v5  }
0x173: {  	v5 =	vadd.s32 v17, v5;
	[tilespmem:v60+s0+$0x0] =	vst.idx.msk $0xffff, v33  }
0x174: {  	p0 =	sne.s32 s4, $0x6000;
	v63 =	vor.u32 s4, v3;
	[tilespmem:v61+s0+$0x0] =	vst.idx.msk $0xffff, v34  }
.Ltmp3:
0x175: {  	[tilespmem:v6+s0+$0x0] =	vst.idx.msk $0xffff, v35;
	(pc) =	sbr.rel @p0 .LBB2_5-.Ltmp3, $4  }
0x176: {  	[tilespmem:v62+s0+$0x0] =	vst.idx.msk $0xffff, v12  }
0x177: {  	[tilespmem:v7+s0+$0x0] =	vst.idx.msk $0xffff, v13  }
0x178: {  	s5 =	sadd.s32 $0x10, s5;
	[tilespmem:v5+s0+$0x0] =	vst.idx.msk $0xffff, v14  }
0x179: {  	s10 =	sadd.s32 $0x10, s10;
	s11 =	sadd.s32 $0x10, s11;
	s4 =	sadd.s32 $0x400, s4;
	[tilespmem:v63+s0+$0x0] =	vst.idx.msk $0xffff, v4  }
.Ltmp4:
0x17a: {  	s4 =	sadd.s32 s24, s17;
	(pc) =	sbr.rel @p1 .LBB2_8-.Ltmp4, $4  }
0x17b: {  	s4 =	sshll.u32 s4, $0x3  }
0x17c: {  	s4 =	sand.u32 $0x1FFFFF80, s4  }
0x17d: {  	s4 =	sadd.s32 s2, s4  }
0x17e: {  	[hbm4b:s4+s3] =	stream.linear.scatter [tilespmem:s0], [sflag:$0x4], $0x6400, $0x38;
	[tilespmem:$0x1D180] =	vst v63  }
0x17f: {  	s4 =	sadd.s32 s24, s18  }
0x180: {  	s4 =	sshrl.u32 s4, $0x3  }
0x181: {  	s5 =	sadd.s32 s7, s4  }
0x182: {  	[tilespmem:s25], [sflag:$0x2] =	stream.linear.gather [hbm4b:s5+s3], $0x190, $0x38;
	[tilespmem:$0x1D180] =	vst v63  }
.Ltmp5:
0x183: {  	_ = 	snop;
	(pc) =	sbr.rel .LBB2_2-.Ltmp5, $4  }
0x184: {  	s24 =	sadd.s32 s8, s4  }
0x185: {  	[tilespmem:s26], [sflag:$0x2] =	stream.linear.gather [hbm4b:s24+s3], $0x190, $0x38;
	[tilespmem:$0x1D180] =	vst v63  }
0x186: {  	s23 =	sadd.s32 $0x1, s23;
	s4 =	sadd.s32 s9, s4  }
0x187: {  	[tilespmem:s28], [sflag:$0x2] =	stream.linear.gather [hbm4b:s4+s3], $0x190, $0x38;
	[tilespmem:$0x1D180] =	vst v63  }
.LBB2_9:
0x188: {  	_ =	sfence.sel $0x180000  }
0x189: {  	[bflag:$0x0] =	sbarrier.arrive $0xFFFF  }
0x18a: {  	_ =	strace $0x90000047  }
0x18b: {  	s0 =	stileid.u32;
	[bflag:$0x2] =	sbarrier.arrive $0xFFFF  }
0x18c: {  	p0 =	sne.s32 s0, $0x0;
	s0 =	rddreg [dreg:$0x2]  }
0x18d: {  	s0 =	sadd.s32 @!p0 $0x100000, s0  }
0x18e: {  	[sflag:s0] =	ssyncadd.tile.s32 @!p0 $0x1;
	_ =	shalt  }
.Lfunc_end2:
_tile_overlayer_lowered:
.L_overlay_start_2:
0x18f: {  	(tag) =	ssettag $0x2  }
0x190: {  	s0 =	rddreg [dreg:$0x0];
	s2 =	stileid.u32  }
0x191: {  	s1 =	rddreg [dreg:$0x1];
	p0 =	sne.s32 s2, $0x0  }
0x192: {  	s3 =	rddreg [dreg:$0x2];
	[bflag:$0x3] =	sbarrier.arrive $0xFFFF;
	s2 =	simm.s32 @!p0 $0x1C05  }
0x193: {  	[timem:s3], [sflag:s2] =	dma.local @!p0 [hbm:s0], s1  }
0x194: {  	s0 =	simm.s32 @!p0 $0x5  }
0x195: {  	_ =	swait.ge @!p0 [sflag:s0], s1  }
0x196: {  	s1 =	ssub.s32 @!p0 $0x0, s1;
	[sflag:s0] =	ssyncset.done @!p0 $0x0  }
0x197: {  	[sflag:s0] =	ssyncadd.s32 @!p0 s1  }
0x198: {  	[bflag:$0x3] =	sbarrier.arrive $0xFFFF  }
0x199: {  	_ =	shalt  }

// kernel: sparse-core-data-format-call.cloned.1.call-start
scs
called_computation_lowered:
.L_overlay_start_0:
0x0: {  	s2 =	sld [smem:$0x3FD9]  }
0x1: {  	s3 =	sld [smem:$0x3FFE];
	_ =	sdelay $0x1  }
0x2: {  	s1 =	srdreg.scid  }
0x3: {  	s0 =	sand.u32 $0x1, s1  }
0x4: {  	s18 =	sshll.u32 s0, $0xA;
	s2 =	sadd.s32 s3, s2  }
0x5: {  	s2 =	sadd.s32 s2, s18  }
0x6: {  	[smem:$0x3FC4] =	sst s2  }
0x7: {  	_ = 	snop  }
0x8: {  	s2 =	sld [smem:$0x3FD0];
	(tm) =	ssettm $0x1  }
0x9: {  	s19 =	sld [smem:$0x3FFB];
	_ =	sdelay $0x3  }
0xa: {  	_ =	strace s19  }
0xb: {  	s3 =	sld [smem:$0x3FFC];
	_ =	sdelay $0x3  }
0xc: {  	_ =	strace s3  }
0xd: {  	s3 =	sld [smem:$0x3FFD];
	_ =	sdelay $0x3  }
0xe: {  	_ =	strace s3  }
0xf: {  	_ =	strace $0x8FFFFFFF  }
0x10: {  	s20 =	sld [smem:$0x3FDB];
	_ =	sdelay $0x1  }
0x11: {  	s4 =	simm.s32 $_scs_section_size  }
0x12: {  	s5 =	simm.s32 $_size__tile_overlayer_lowered;
	s6 =	simm.s32 $_tile_overlayer_lowered  }
0x13: {  	s23 =	simm.s32 $0x1BFF;
	s22 =	sshll.u32 s6, $0x1;
	s3 =	sadd.s32 s4, s20  }
0x14: {  	s7 =	simm.s32 $0x0;
	s21 =	sshll.u32 s5, $0x1;
	s5 =	sadd.s32 s22, s3  }
0x15: {  	[timem:s7], [sflag:s23] =	dma.local [hbm:s5], s21  }
0x16: {  	_ =	swait.ge [sflag:s23], s21  }
0x17: {  	s4 =	ssub.s32 $0x0, s21;
	[sflag:s23] =	ssyncset.done $0x0  }
0x18: {  	[sflag:s23] =	ssyncadd.s32 s4;
	_ =	sdelay $0x1  }
0x19: {  	s24 =	simm.s32 $0x1B8B  }
0x1a: {  	_ =	swait.ge [sflag:s24], $0x1  }
0x1b: {  	[sflag:s24] =	ssyncset.done $0x0  }
0x1c: {  	s26 =	simm.s32 $0x1B8E;
	s25 =	sld [smem:$0x3FFE];
	[sflag:s24] =	ssyncadd.s32 $0xFFFFFFFF  }
0x1d: {  	s27 =	simm.s32 $execute0_lowered;
	[smem:$0x3FD2] =	sst s26  }
0x1e: {  	s5 =	sshll.u32 s27, $0x1;
	_ =	strace $0x80000049;
	[dreg:$0x1] =	wrdreg $0xFFFFFFFF  }
0x1f: {  	s28 =	simm.s32 $_size_execute0_lowered;
	s3 =	sadd.s32 s3, s5;
	[dreg:$0x0] =	wrdreg $0x0  }
0x20: {  	s5 =	sshll.u32 s28, $0x1;
	[dreg:$0x2] =	wrdreg s3  }
0x21: {  	[dreg:$0x3] =	wrdreg s5  }
0x22: {  	[dreg:$0x4] =	wrdreg $0xC0  }
0x23: {  	_ =	task [dreg:s7], $0x5FFFF  }
0x24: {  	[dreg:$0x1] =	wrdreg $0xFFFFFFFF  }
0x25: {  	[dreg:$0x0] =	wrdreg $0x60  }
0x26: {  	[dreg:$0x2] =	wrdreg s25  }
0x27: {  	[dreg:$0x3] =	wrdreg s2  }
0x28: {  	[dreg:$0x4] =	wrdreg $0x9  }
0x29: {  	_ =	task.clear_ibuf [dreg:s7], $0x5FFFF;
	_ =	strace $0x90000049  }
0x2a: {  	s29 =	simm.s32 $0x9;
	_ =	strace $0x8000004B  }
0x2b: {  	_ =	swait.ge [sflag:s29], $0x1  }
0x2c: {  	[sflag:s29] =	ssyncadd.s32 $0xFFFFFFFF  }
0x2d: {  	_ =	strace $0x9000004B  }
0x2e: {  	_ =	sfence  }
0x2f: {  	s30 =	sld [smem:$0x0];
	_ =	sdelay $0x2  }
0x30: {  	s31 =	sshll.u32 s1, $0xD;
	s1 =	sshrl.u32 s1, $0x2  }
0x31: {  	s3 =	sand.u32 $0x4000, s31;
	s1 =	sadd.s32 s1, s30  }
0x32: {  	s0 =	sor.u32 s3, s0;
	s1 =	sshll.u32 s1, $0x11  }
0x33: {  	s0 =	sor.u32 s1, s0  }
0x34: {  	s0 =	sadd.s32 $0x8F2B, s0  }
0x35: {  	[sflag:s0] =	ssyncadd.remote.s32 $0x1  }
0x36: {  	_ =	sfence.sel $0xFFFF  }
0x37: {  	[dreg:$0x0] =	wrdreg $0xFFFFFFFF;
	(pc) =	sbr.abs _section_cstart, $3  }
0x38: {  	[dreg:$0x1] =	wrdreg $0xFFFFFFFF  }
0x39: {  	_ =	task.clear_ibuf [dreg:s7], $0x2FFFF;
	_ =	strace $0x9FFFFFFF  }
0x3a: {  	(tm) =	ssettm $0x7FFFFFFF  }
0x3b: {  	_ =	shalt  }
tec
execute0_lowered:
.L_overlay_start_1:
0x0: {  	(tag) =	ssettag $0x1  }
0x1: {  	s0 =	srdreg.scid  }
0x2: {  	s1 =	sshll.u32 s0, $0x4  }
0x3: {  	s0 =	stileid.u32;
	s1 =	sand.u32 $0x10, s1  }
0x4: {  	s1 =	sor.u32 s0, s1  }
0x5: {  	s6 =	rddreg [dreg:$0x0];
	s4 =	simm.s32 $0x1;
	s2 =	sshll.u32 s1, $0x7  }
0x6: {  	s7 =	simm.s32 $0x2;
	s12 =	simm.s32 $0x0;
	s1 =	ssub.s32 $0x1000, s2  }
0x7: {  	s8 =	simm.s32 $0x8000;
	s13 =	simm.s32 $0x0;
	s3 =	sand.u32 $0xF80, s1  }
0x8: {  	s9 =	simm.s32 $0x0;
	s5 =	sshrl.u32 s1, $0xC;
	p0 =	sne.s32 s3, $0x0  }
.Ltmp0:
0x9: {  	s1 =	rddreg [dreg:$0x2];
	s4 =	simm.s32 @!p0 $0x0;
	(pc) =	sbr.rel .LBB1_1-.Ltmp0, $4  }
0xa: {  	s11 =	simm.s32 $0x0;
	s3 =	rddreg [dreg:$0x1];
	s5 =	sadd.s32 s4, s5  }
0xb: {  	_ =	strace $0x8000004A;
	s4 =	simm.s32 $0x1;
	s5 =	smul.u32 $0xC8, s5  }
0xc: {  	s6 =	sadd.s32 $0xC00, s6;
	s10 =	smov.u32 s2;
	[sflag:s4] =	ssyncpa.u1 $0x0  }
0xd: {  	p0 =	por $0x0, $0x0;
	[sflag:s7] =	ssyncpa.u1 $0x0;
	s7 =	sor.u32 $0x1, s5  }
.LBB1_4:
0xe: {  	s16 =	sshll.u32 s13, $0x3;
	s17 =	sand.u32 $0x78, s13  }
0xf: {  	s30 =	sand.u32 $0x7E00, s13;
	s12 =	sshll.u32 s12, $0xF;
	s16 =	sand.u32 $0xC00, s16  }
0x10: {  	[tilespmem:s15+$0x810 ss:$0x81] =	vst.msk $0xffff, v2;
	s31 =	sand.u32 $0x7, s13;
	s16 =	sor.u32 s17, s16;
	s17 =	sadd.s32 s3, s30  }
0x11: {  	[tilespmem:s15+$0x1020 ss:$0x81] =	vst.msk $0xffff, v0;
	s13 =	sshll.u32 s31, $0x12;
	s12 =	sadd.s32 s12, s17;
	s16 =	sshrl.u32 s16, $0x3  }
0x12: {  	[tilespmem:s15+$0x0 ss:$0x81] =	vst.msk $0xffff, v1;
	s13 =	sor.u32 $0x400, s13;
	s12 =	sadd.s32 s16, s12  }
0x13: {  	[hbm4b:s12+s13] =	stream.strided.scatter [tilespmem:s14], [sflag:$0x2], $0x2000, s8, s13, $0x20;
	[tilespmem:$0x8080] =	vst v63  }
.LBB1_5:
0x14: {  	s14 =	sadd.s32 $0x1, s9  }
0x15: {  	s12 =	sadd.s32 $0x1000, s10;
	s16 =	smov.u32 s10;
	p2 =	sgt.s32 s14, $0xC7  }
0x16: {  	s16 =	smov.u32 @p2 s12  }
0x17: {  	s14 =	simm.s32 @p2 $0x0;
	p2 =	sgt.s32 s16, $0xFFF  }
0x18: {  	s16 =	smov.u32 @p2 s2;
	p2 =	sne.s32 s11, s7  }
.Ltmp1:
0x19: {  	p1 =	slt.u32 s11, $0x2;
	(pc) =	sbr.rel @!p2 .LBB1_6-.Ltmp1, $4  }
0x1a: {  	s15 =	simm.s32 @!p1 $0x2  }
0x1b: {  	s13 =	smov.u32 s10;
	p0 =	por !p0, !p0;
	_ =	swait.ge @!p1 [sflag:s15], $0x2000  }
0x1c: {  	s12 =	smov.u32 s9;
	[sflag:s15] =	ssyncset.done @!p1 $0x0;
	s9 =	smov.u32 s14  }
0x1d: {  	s11 =	sadd.s32 $0x1, s11;
	[sflag:s15] =	ssyncadd.s32 @!p1 $0xFFFFE000;
	s10 =	smov.u32 s16  }
.LBB1_1:
0x1e: {  	p1 =	sge.u32 s11, s5  }
0x1f: {  	s14 =	sand.u32 @!p1 $0x1FFFFFF, s9  }
0x20: {  	s15 =	smulhi.u32 @!p1 $0x147AE15, s14;
	_ =	sdelay $0x1  }
0x21: {  	s15 =	smul.u32 @!p1 $0xC8, s15  }
0x22: {  	s16 =	sxor.u32 @!p1 $0xFFFFFFFF, s11;
	s17 =	smul.u32 @!p1 $0xC80, s10  }
0x23: {  	s31 =	sadd.s32 $0xFFFFFFFF, s11;
	s16 =	sshll.u32 @!p1 s16, $0xD;
	s14 =	ssub.s32 @!p1 s14, s15  }
0x24: {  	s15 =	sand.u32 @!p1 $0x2000, s16;
	s16 =	sadd.s32 @!p1 s6, s17;
	s14 =	sshll.u32 @!p1 s14, $0x4  }
0x25: {  	s17 =	simm.s32 @!p1 $0x6400;
	s14 =	sadd.s32 @!p1 s14, s16;
	s16 =	simm.s32 @!p1 $0x40  }
0x26: {  	[tilespmem:s15], [sflag:$0x1] =	stream.strided.gather @!p1 [hbm4b:s14+s16], $0x2000, s17, s16, $0x38;
	[tilespmem:$0x8080] =	vst v63  }
0x27: {  	p1 =	sge.u32 s31, s5  }
.Ltmp2:
0x28: {  	_ = 	snop;
	(pc) =	sbr.rel @p1 .LBB1_5-.Ltmp2, $1  }
0x29: {  	_ =	sdelay $0x3  }
0x2a: {  	s14 =	simm.s32 $0x1  }
0x2b: {  	_ =	swait.ge [sflag:s4], $0x2000;
	s14 =	simm.s32 @!p0 $0x0  }
0x2c: {  	[sflag:s4] =	ssyncset.done $0x0;
	s15 =	sshll.u32 s14, $0xD  }
0x2d: {  	[sflag:s4] =	ssyncadd.s32 $0xFFFFE000;
	s18 =	sor.u32 $0x20, s15  }
0x2e: {  	s14 =	smul.u32 $0x8100, s14;
	v3 =	vld [tilespmem:s18+$0x10]  }
0x2f: {  	s30 =	sand.u32 $0x1, s11;
	v2 =	vld [tilespmem:s18+$0xFFFFFFF0]  }
0x30: {  	s15 =	smul.u32 $0x8100, s30;
	s14 =	sshrl.u32 s14, $0x2;
	v0 =	vld [tilespmem:s18+$0x0]  }
0x31: {  	v1 =	vld [tilespmem:s18+$0xFFFFFFE0];
	s16 =	sor.u32 $0x4000, s14  }
0x32: {  	s31 =	sshrl.u32 s15, $0x2;
	s15 =	sadd.s32 $0x0, s16  }
0x33: {  	s17 =	simm.s32 $0x4;
	s18 =	sadd.s32 $0x40, s18;
	s14 =	sor.u32 $0x4000, s31;
	[tilespmem:s15+$0x1830 ss:$0x81] =	vst.msk $0xffff, v3  }
.LBB1_3:
0x34: {  	v3 =	vld [tilespmem:s18+$0x10];
	p1 =	sne.s32 s17, $0x1FC;
	[tilespmem:s15+$0x810 ss:$0x81] =	vst.msk $0xffff, v2;
	s19 =	smov.u32 s17;
	s17 =	sadd.s32 $0x4, s17  }
.Ltmp3:
0x35: {  	v2 =	vld [tilespmem:s18+$0xFFFFFFF0];
	[tilespmem:s15+$0x1020 ss:$0x81] =	vst.msk $0xffff, v0;
	(pc) =	sbr.rel @p1 .LBB1_3-.Ltmp3, $4  }
0x36: {  	v0 =	vld [tilespmem:s18+$0x0];
	[tilespmem:s15+$0x0 ss:$0x81] =	vst.msk $0xffff, v1  }
0x37: {  	s15 =	sshra.s32 s19, $0x2;
	v1 =	vld [tilespmem:s18+$0xFFFFFFE0]  }
0x38: {  	s15 =	sadd.s32 s15, s16  }
0x39: {  	s18 =	sadd.s32 $0x40, s18;
	[tilespmem:s15+$0x1830 ss:$0x81] =	vst.msk $0xffff, v3  }
.Ltmp4:
0x3a: {  	_ = 	snop;
	(pc) =	sbr.rel .LBB1_4-.Ltmp4, $1  }
0x3b: {  	_ =	sdelay $0x3  }
.LBB1_6:
0x3c: {  	_ =	sfence.sel $0x180000  }
0x3d: {  	s2 =	simm.s32 $0x1;
	[bflag:$0x0] =	sbarrier.arrive $0xFFFF  }
0x3e: {  	s31 =	simm.s32 $0x2;
	[sflag:s2] =	ssyncpa.u1 $0x1  }
0x3f: {  	[sflag:s31] =	ssyncpa.u1 $0x1  }
0x40: {  	p0 =	sne.s32 s0, $0x0;
	_ =	strace $0x9000004A  }
0x41: {  	s0 =	sadd.s32 @!p0 $0x100000, s1;
	[bflag:$0x2] =	sbarrier.arrive $0xFFFF  }
0x42: {  	[sflag:s0] =	ssyncadd.tile.s32 @!p0 $0x1;
	_ =	shalt  }
.Lfunc_end1:
_tile_overlayer_lowered:
.L_overlay_start_2:
0x43: {  	(tag) =	ssettag $0x2  }
0x44: {  	s0 =	rddreg [dreg:$0x0];
	s2 =	stileid.u32  }
0x45: {  	s1 =	rddreg [dreg:$0x1];
	p0 =	sne.s32 s2, $0x0  }
0x46: {  	s3 =	rddreg [dreg:$0x2];
	[bflag:$0x3] =	sbarrier.arrive $0xFFFF;
	s2 =	simm.s32 @!p0 $0x1C01  }
0x47: {  	[timem:s3], [sflag:s2] =	dma.local @!p0 [hbm:s0], s1  }
0x48: {  	s0 =	simm.s32 @!p0 $0x1  }
0x49: {  	_ =	swait.ge @!p0 [sflag:s0], s1  }
0x4a: {  	s1 =	ssub.s32 @!p0 $0x0, s1;
	[sflag:s0] =	ssyncset.done @!p0 $0x0  }
0x4b: {  	[sflag:s0] =	ssyncadd.s32 @!p0 s1  }
0x4c: {  	[bflag:$0x3] =	sbarrier.arrive $0xFFFF  }
0x4d: {  	_ =	shalt  }

</sc_bundles>
